<compile_context>
chip_gen: v7x
topology: tpu7x:2x2x1
jax: 0.10.2.dev20260603
libtpu: 0.0.44.dev20260713+nightly
codegen_flags: <defaults>
</compile_context>

<pallas_src>
import functools

import jax
import jax.numpy as jnp
from jax import lax
from jax.experimental import pallas as pl
from jax.experimental.pallas import tpu as pltpu
from jax.experimental.pallas import tpu_sc as plsc

NC = 2
NS = 16
NW = NC * NS

N_ATOMS = 100000
D = 512
N0 = 4096
A = 24
TOTAL = N0 * A
PER_TILE = TOTAL // NW
CHUNK = 128
NCHUNK = PER_TILE // CHUNK
ZCH = 6256
TBL = NS * ZCH

SCALE = 1.0 / float(TOTAL)

_sc_mesh = plsc.VectorSubcoreMesh(core_axis_name="c", subcore_axis_name="s")


@functools.partial(
    pl.kernel,
    out_type=jax.ShapeDtypeStruct((NC, TBL), jnp.float32),
    mesh=_sc_mesh,
    scratch_types=[
        pltpu.VMEM((NCHUNK, CHUNK), jnp.int32),
        pltpu.VMEM((CHUNK,), jnp.float32),
        pltpu.VMEM((ZCH,), jnp.float32),
        pltpu.VMEM_SHARED((TBL,), jnp.float32),
        pltpu.SemaphoreType.DMA,
        pltpu.SemaphoreType.DMA,
    ],
)
def _histogram(idx_hbm, out_hbm, idx_v, ones_v, zeros_v, table_sh,
               sem_idx, sem_sc):
    cid = lax.axis_index("c")
    sid = lax.axis_index("s")
    w = cid * NS + sid

    idx_cp = pltpu.async_copy(idx_hbm.at[w], idx_v, sem_idx)

    ones16 = jnp.full((16,), 1.0, jnp.float32)
    for i in range(CHUNK // 16):
        ones_v[pl.ds(i * 16, 16)] = ones16

    zero16 = jnp.zeros((16,), jnp.float32)

    def _zbody(i, carry):
        for u in range(17):
            zeros_v[pl.ds((i * 17 + u) * 16, 16)] = zero16
        return carry

    lax.fori_loop(0, ZCH // (16 * 17), _zbody, 0)

    pltpu.sync_copy(zeros_v, table_sh.at[pl.ds(sid * ZCH, ZCH)])
    idx_cp.wait()
    plsc.subcore_barrier()

    cps = [
        pltpu.async_copy(ones_v, table_sh.at[idx_v.at[j]], sem_sc, add=True)
        for j in range(NCHUNK)
    ]
    for cp in cps:
        cp.wait()
    plsc.subcore_barrier()

    @pl.when(sid == 0)
    def _():
        pltpu.sync_copy(table_sh, out_hbm.at[cid])


BK = 4000
NKB = N_ATOMS // BK


def _mv_body(c_ref, x_ref, o_ref):
    k = pl.program_id(0)

    @pl.when(k == 0)
    def _():
        o_ref[...] = jnp.zeros_like(o_ref)

    c = c_ref[0, pl.ds(k, 1), :] + c_ref[1, pl.ds(k, 1), :]
    o_ref[...] += jnp.dot(c, x_ref[...], preferred_element_type=jnp.float32)

    @pl.when(k == NKB - 1)
    def _():
        o_ref[...] = o_ref[...] * SCALE


_matvec = pl.pallas_call(
    _mv_body,
    grid=(NKB,),
    in_specs=[
        pl.BlockSpec((NC, NKB, BK), lambda k: (0, 0, 0)),
        pl.BlockSpec((BK, D), lambda k: (k, 0)),
    ],
    out_specs=pl.BlockSpec((1, D), lambda k: (0, 0)),
    out_shape=jax.ShapeDtypeStruct((1, D), jnp.float32),
)


def kernel(x_atom_fea, node_atom_idx):
    idx = node_atom_idx.astype(jnp.int32).reshape(NW, NCHUNK, CHUNK)
    counts = _histogram(idx)
    counts3 = counts[:, :N_ATOMS].reshape(NC, NKB, BK)
    return _matvec(counts3, x_atom_fea)

# --- scband reference (transcript-rebuilt; emitter-appended) ---
"""Pipeline reference for scband-merge-layer-67568425501389 (READ-ONLY COPY).

The authoritative reference and input builder live on the scoring server;
editing this copy changes nothing except your own understanding.
"""

import jax, jax.numpy as jnp
import numpy as np


def setup_inputs(seed: int = 0) -> dict:
    key = jax.random.key(seed)
    k1, k2 = jax.random.split(key)
    x_atom_fea = jax.random.normal(k1, (100000, 512), dtype=jnp.float32)
    node_atom_idx = jax.random.randint(k2, (4096, 24), 0, 100000, dtype=jnp.int64)
    return {"x_atom_fea": x_atom_fea, "node_atom_idx": node_atom_idx}


def reference(x_atom_fea, node_atom_idx):
    # pooling: for each crystal (row of node_atom_idx), gather its atoms and mean-pool
    gathered = jnp.take(x_atom_fea, node_atom_idx, axis=0)  # [N0, A, d]
    summed_fea = jnp.mean(gathered, axis=1)                  # [N0, d] == torch.cat of per-crystal means
    # final mean over crystals with keepdim
    return jnp.mean(summed_fea, axis=0, keepdims=True)       # [1, d]

if __name__ == "__main__":
    import jax
    _d = setup_inputs()
    print(jax.jit(kernel)(*tuple(_d.values())))

</pallas_src>

<mosaic_0001>
#map = affine_map<(d0, d1) -> (0, 0, 0)>
#map1 = affine_map<(d0, d1) -> (0, 0)>
module attributes {stable_mosaic.version = 14 : i64} {
  func.func @_histogram(%arg0: i32, %arg1: i32, %arg2: memref<32x24x128xi32, #tpu.memory_space<hbm>>, %arg3: memref<2x100096xf32, #tpu.memory_space<hbm>>, %arg4: memref<24x128xi32, #tpu.memory_space<vmem>>, %arg5: memref<128xf32, #tpu.memory_space<vmem>>, %arg6: memref<6256xf32, #tpu.memory_space<vmem>>, %arg7: memref<100096xf32, #tpu.memory_space<vmem_shared>>, %arg8: memref<!tpu.dma_semaphore, #tpu.memory_space<semaphore_mem>>, %arg9: memref<!tpu.dma_semaphore, #tpu.memory_space<semaphore_mem>>) attributes {dimension_semantics = [#tpu.dimension_semantics<core_parallel>, #tpu.dimension_semantics<subcore_parallel>], iteration_bounds = array<i64: 2, 16>, scalar_prefetch = 0 : i64, scratch_operands = 6 : i64, tpu.core_type = #tpu.core_type<sc_vector_subcore>, window_params = [{transform_indices = #map}, {transform_indices = #map1}]} {
    %mul3A = arith.constant 16 : i32
    %mul3A_0 = arith.muli %arg0, %mul3A : i32
    %add3A = arith.addi %mul3A_0, %arg1 : i32
    %dma_start3A = arith.constant 0 : i32
    %dma_start3A_1 = arith.constant 0 : i32
    %dma_start3A_2 = tpu.memref_slice %arg2[%add3A, %dma_start3A, %dma_start3A_1] : memref<32x24x128xi32, #tpu.memory_space<hbm>> -> memref<1x24x128xi32, #tpu.memory_space<hbm>>
    %dma_start3A_3 = tpu.memref_squeeze %dma_start3A_2 : memref<1x24x128xi32, #tpu.memory_space<hbm>> -> memref<24x128xi32, #tpu.memory_space<hbm>>
    %dma_start3A_4 = arith.constant 0 : i32
    %dma_start3A_5 = arith.constant 0 : i32
    %dma_start3A_6 = tpu.memref_slice %arg2[%add3A, %dma_start3A_4, %dma_start3A_5] : memref<32x24x128xi32, #tpu.memory_space<hbm>> -> memref<1x24x128xi32, #tpu.memory_space<hbm>>
    %dma_start3A_7 = tpu.memref_squeeze %dma_start3A_6 : memref<1x24x128xi32, #tpu.memory_space<hbm>> -> memref<24x128xi32, #tpu.memory_space<hbm>>
    tpu.enqueue_dma source(%dma_start3A_7 : memref<24x128xi32, #tpu.memory_space<hbm>>) target(%arg4 : memref<24x128xi32, #tpu.memory_space<vmem>>) target_semaphore(%arg8 : memref<!tpu.dma_semaphore, #tpu.memory_space<semaphore_mem>>)
    %broadcast_in_dim3A = arith.constant 1.000000e+00 : f32
    %broadcast_in_dim3A_8 = vector.broadcast %broadcast_in_dim3A : f32 to vector<16xf32>
    %swap3A = arith.constant 0 : index
    %swap3A_9 = tpu.vector_load %arg5[%swap3A] {strides = array<i32>} : memref<128xf32, #tpu.memory_space<vmem>>, vector<16xf32>,
    %swap3A_10 = vector.shape_cast %swap3A_9 : vector<16xf32> to vector<16xf32>
    %swap3A_11 = vector.shape_cast %broadcast_in_dim3A_8 : vector<16xf32> to vector<16xf32>
    tpu.vector_store %arg5[%swap3A], %swap3A_11 {strides = array<i32>} : memref<128xf32, #tpu.memory_space<vmem>>, vector<16xf32>,
    %swap3A_12 = arith.constant 16 : index
    %swap3A_13 = tpu.vector_load %arg5[%swap3A_12] {strides = array<i32>} : memref<128xf32, #tpu.memory_space<vmem>>, vector<16xf32>,
    %swap3A_14 = vector.shape_cast %swap3A_13 : vector<16xf32> to vector<16xf32>
    %swap3A_15 = vector.shape_cast %broadcast_in_dim3A_8 : vector<16xf32> to vector<16xf32>
    tpu.vector_store %arg5[%swap3A_12], %swap3A_15 {strides = array<i32>} : memref<128xf32, #tpu.memory_space<vmem>>, vector<16xf32>,
    %swap3A_16 = arith.constant 32 : index
    %swap3A_17 = tpu.vector_load %arg5[%swap3A_16] {strides = array<i32>} : memref<128xf32, #tpu.memory_space<vmem>>, vector<16xf32>,
    %swap3A_18 = vector.shape_cast %swap3A_17 : vector<16xf32> to vector<16xf32>
    %swap3A_19 = vector.shape_cast %broadcast_in_dim3A_8 : vector<16xf32> to vector<16xf32>
    tpu.vector_store %arg5[%swap3A_16], %swap3A_19 {strides = array<i32>} : memref<128xf32, #tpu.memory_space<vmem>>, vector<16xf32>,
    %swap3A_20 = arith.constant 48 : index
    %swap3A_21 = tpu.vector_load %arg5[%swap3A_20] {strides = array<i32>} : memref<128xf32, #tpu.memory_space<vmem>>, vector<16xf32>,
    %swap3A_22 = vector.shape_cast %swap3A_21 : vector<16xf32> to vector<16xf32>
    %swap3A_23 = vector.shape_cast %broadcast_in_dim3A_8 : vector<16xf32> to vector<16xf32>
    tpu.vector_store %arg5[%swap3A_20], %swap3A_23 {strides = array<i32>} : memref<128xf32, #tpu.memory_space<vmem>>, vector<16xf32>,
    %swap3A_24 = arith.constant 64 : index
    %swap3A_25 = tpu.vector_load %arg5[%swap3A_24] {strides = array<i32>} : memref<128xf32, #tpu.memory_space<vmem>>, vector<16xf32>,
    %swap3A_26 = vector.shape_cast %swap3A_25 : vector<16xf32> to vector<16xf32>
    %swap3A_27 = vector.shape_cast %broadcast_in_dim3A_8 : vector<16xf32> to vector<16xf32>
    tpu.vector_store %arg5[%swap3A_24], %swap3A_27 {strides = array<i32>} : memref<128xf32, #tpu.memory_space<vmem>>, vector<16xf32>,
    %swap3A_28 = arith.constant 80 : index
    %swap3A_29 = tpu.vector_load %arg5[%swap3A_28] {strides = array<i32>} : memref<128xf32, #tpu.memory_space<vmem>>, vector<16xf32>,
    %swap3A_30 = vector.shape_cast %swap3A_29 : vector<16xf32> to vector<16xf32>
    %swap3A_31 = vector.shape_cast %broadcast_in_dim3A_8 : vector<16xf32> to vector<16xf32>
    tpu.vector_store %arg5[%swap3A_28], %swap3A_31 {strides = array<i32>} : memref<128xf32, #tpu.memory_space<vmem>>, vector<16xf32>,
    %swap3A_32 = arith.constant 96 : index
    %swap3A_33 = tpu.vector_load %arg5[%swap3A_32] {strides = array<i32>} : memref<128xf32, #tpu.memory_space<vmem>>, vector<16xf32>,
    %swap3A_34 = vector.shape_cast %swap3A_33 : vector<16xf32> to vector<16xf32>
    %swap3A_35 = vector.shape_cast %broadcast_in_dim3A_8 : vector<16xf32> to vector<16xf32>
    tpu.vector_store %arg5[%swap3A_32], %swap3A_35 {strides = array<i32>} : memref<128xf32, #tpu.memory_space<vmem>>, vector<16xf32>,
    %swap3A_36 = arith.constant 112 : index
    %swap3A_37 = tpu.vector_load %arg5[%swap3A_36] {strides = array<i32>} : memref<128xf32, #tpu.memory_space<vmem>>, vector<16xf32>,
    %swap3A_38 = vector.shape_cast %swap3A_37 : vector<16xf32> to vector<16xf32>
    %swap3A_39 = vector.shape_cast %broadcast_in_dim3A_8 : vector<16xf32> to vector<16xf32>
    tpu.vector_store %arg5[%swap3A_36], %swap3A_39 {strides = array<i32>} : memref<128xf32, #tpu.memory_space<vmem>>, vector<16xf32>,
    %broadcast_in_dim3A_40 = arith.constant 0.000000e+00 : f32
    %broadcast_in_dim3A_41 = vector.broadcast %broadcast_in_dim3A_40 : f32 to vector<16xf32>
    %scan3A = arith.constant 0 : i32
    %scan3A_42 = arith.constant 0 : i32
    %scan3A_43 = arith.constant 23 : i32
    %scan3A_44 = arith.addi %scan3A_42, %scan3A_43 : i32
    %scan3A_45 = arith.constant 1 : i32
    scf.for %scan3A_347 = %scan3A_42 to %scan3A_44 step %scan3A_45  : i32 {
      %mul3A_348 = arith.constant 17 : i32
      %mul3A_349 = arith.muli %scan3A_347, %mul3A_348 : i32
      %add3A_350 = arith.constant 0 : i32
      %add3A_351 = arith.addi %mul3A_349, %add3A_350 : i32
      %mul3A_352 = arith.constant 16 : i32
      %mul3A_353 = arith.muli %add3A_351, %mul3A_352 : i32
      %swap3A_354 = arith.index_cast %mul3A_353 : i32 to index
      %swap3A_355 = tpu.vector_load %arg6[%swap3A_354] {strides = array<i32>} : memref<6256xf32, #tpu.memory_space<vmem>>, vector<16xf32>,
      %swap3A_356 = vector.shape_cast %swap3A_355 : vector<16xf32> to vector<16xf32>
      %swap3A_357 = vector.shape_cast %broadcast_in_dim3A_41 : vector<16xf32> to vector<16xf32>
      tpu.vector_store %arg6[%swap3A_354], %swap3A_357 {strides = array<i32>} : memref<6256xf32, #tpu.memory_space<vmem>>, vector<16xf32>,
      %mul3A_358 = arith.constant 17 : i32
      %mul3A_359 = arith.muli %scan3A_347, %mul3A_358 : i32
      %add3A_360 = arith.constant 1 : i32
      %add3A_361 = arith.addi %mul3A_359, %add3A_360 : i32
      %mul3A_362 = arith.constant 16 : i32
      %mul3A_363 = arith.muli %add3A_361, %mul3A_362 : i32
      %swap3A_364 = arith.index_cast %mul3A_363 : i32 to index
      %swap3A_365 = tpu.vector_load %arg6[%swap3A_364] {strides = array<i32>} : memref<6256xf32, #tpu.memory_space<vmem>>, vector<16xf32>,
      %swap3A_366 = vector.shape_cast %swap3A_365 : vector<16xf32> to vector<16xf32>
      %swap3A_367 = vector.shape_cast %broadcast_in_dim3A_41 : vector<16xf32> to vector<16xf32>
      tpu.vector_store %arg6[%swap3A_364], %swap3A_367 {strides = array<i32>} : memref<6256xf32, #tpu.memory_space<vmem>>, vector<16xf32>,
      %mul3A_368 = arith.constant 17 : i32
      %mul3A_369 = arith.muli %scan3A_347, %mul3A_368 : i32
      %add3A_370 = arith.constant 2 : i32
      %add3A_371 = arith.addi %mul3A_369, %add3A_370 : i32
      %mul3A_372 = arith.constant 16 : i32
      %mul3A_373 = arith.muli %add3A_371, %mul3A_372 : i32
      %swap3A_374 = arith.index_cast %mul3A_373 : i32 to index
      %swap3A_375 = tpu.vector_load %arg6[%swap3A_374] {strides = array<i32>} : memref<6256xf32, #tpu.memory_space<vmem>>, vector<16xf32>,
      %swap3A_376 = vector.shape_cast %swap3A_375 : vector<16xf32> to vector<16xf32>
      %swap3A_377 = vector.shape_cast %broadcast_in_dim3A_41 : vector<16xf32> to vector<16xf32>
      tpu.vector_store %arg6[%swap3A_374], %swap3A_377 {strides = array<i32>} : memref<6256xf32, #tpu.memory_space<vmem>>, vector<16xf32>,
      %mul3A_378 = arith.constant 17 : i32
      %mul3A_379 = arith.muli %scan3A_347, %mul3A_378 : i32
      %add3A_380 = arith.constant 3 : i32
      %add3A_381 = arith.addi %mul3A_379, %add3A_380 : i32
      %mul3A_382 = arith.constant 16 : i32
      %mul3A_383 = arith.muli %add3A_381, %mul3A_382 : i32
      %swap3A_384 = arith.index_cast %mul3A_383 : i32 to index
      %swap3A_385 = tpu.vector_load %arg6[%swap3A_384] {strides = array<i32>} : memref<6256xf32, #tpu.memory_space<vmem>>, vector<16xf32>,
      %swap3A_386 = vector.shape_cast %swap3A_385 : vector<16xf32> to vector<16xf32>
      %swap3A_387 = vector.shape_cast %broadcast_in_dim3A_41 : vector<16xf32> to vector<16xf32>
      tpu.vector_store %arg6[%swap3A_384], %swap3A_387 {strides = array<i32>} : memref<6256xf32, #tpu.memory_space<vmem>>, vector<16xf32>,
      %mul3A_388 = arith.constant 17 : i32
      %mul3A_389 = arith.muli %scan3A_347, %mul3A_388 : i32
      %add3A_390 = arith.constant 4 : i32
      %add3A_391 = arith.addi %mul3A_389, %add3A_390 : i32
      %mul3A_392 = arith.constant 16 : i32
      %mul3A_393 = arith.muli %add3A_391, %mul3A_392 : i32
      %swap3A_394 = arith.index_cast %mul3A_393 : i32 to index
      %swap3A_395 = tpu.vector_load %arg6[%swap3A_394] {strides = array<i32>} : memref<6256xf32, #tpu.memory_space<vmem>>, vector<16xf32>,
      %swap3A_396 = vector.shape_cast %swap3A_395 : vector<16xf32> to vector<16xf32>
      %swap3A_397 = vector.shape_cast %broadcast_in_dim3A_41 : vector<16xf32> to vector<16xf32>
      tpu.vector_store %arg6[%swap3A_394], %swap3A_397 {strides = array<i32>} : memref<6256xf32, #tpu.memory_space<vmem>>, vector<16xf32>,
      %mul3A_398 = arith.constant 17 : i32
      %mul3A_399 = arith.muli %scan3A_347, %mul3A_398 : i32
      %add3A_400 = arith.constant 5 : i32
      %add3A_401 = arith.addi %mul3A_399, %add3A_400 : i32
      %mul3A_402 = arith.constant 16 : i32
      %mul3A_403 = arith.muli %add3A_401, %mul3A_402 : i32
      %swap3A_404 = arith.index_cast %mul3A_403 : i32 to index
      %swap3A_405 = tpu.vector_load %arg6[%swap3A_404] {strides = array<i32>} : memref<6256xf32, #tpu.memory_space<vmem>>, vector<16xf32>,
      %swap3A_406 = vector.shape_cast %swap3A_405 : vector<16xf32> to vector<16xf32>
      %swap3A_407 = vector.shape_cast %broadcast_in_dim3A_41 : vector<16xf32> to vector<16xf32>
      tpu.vector_store %arg6[%swap3A_404], %swap3A_407 {strides = array<i32>} : memref<6256xf32, #tpu.memory_space<vmem>>, vector<16xf32>,
      %mul3A_408 = arith.constant 17 : i32
      %mul3A_409 = arith.muli %scan3A_347, %mul3A_408 : i32
      %add3A_410 = arith.constant 6 : i32
      %add3A_411 = arith.addi %mul3A_409, %add3A_410 : i32
      %mul3A_412 = arith.constant 16 : i32
      %mul3A_413 = arith.muli %add3A_411, %mul3A_412 : i32
      %swap3A_414 = arith.index_cast %mul3A_413 : i32 to index
      %swap3A_415 = tpu.vector_load %arg6[%swap3A_414] {strides = array<i32>} : memref<6256xf32, #tpu.memory_space<vmem>>, vector<16xf32>,
      %swap3A_416 = vector.shape_cast %swap3A_415 : vector<16xf32> to vector<16xf32>
      %swap3A_417 = vector.shape_cast %broadcast_in_dim3A_41 : vector<16xf32> to vector<16xf32>
      tpu.vector_store %arg6[%swap3A_414], %swap3A_417 {strides = array<i32>} : memref<6256xf32, #tpu.memory_space<vmem>>, vector<16xf32>,
      %mul3A_418 = arith.constant 17 : i32
      %mul3A_419 = arith.muli %scan3A_347, %mul3A_418 : i32
      %add3A_420 = arith.constant 7 : i32
      %add3A_421 = arith.addi %mul3A_419, %add3A_420 : i32
      %mul3A_422 = arith.constant 16 : i32
      %mul3A_423 = arith.muli %add3A_421, %mul3A_422 : i32
      %swap3A_424 = arith.index_cast %mul3A_423 : i32 to index
      %swap3A_425 = tpu.vector_load %arg6[%swap3A_424] {strides = array<i32>} : memref<6256xf32, #tpu.memory_space<vmem>>, vector<16xf32>,
      %swap3A_426 = vector.shape_cast %swap3A_425 : vector<16xf32> to vector<16xf32>
      %swap3A_427 = vector.shape_cast %broadcast_in_dim3A_41 : vector<16xf32> to vector<16xf32>
      tpu.vector_store %arg6[%swap3A_424], %swap3A_427 {strides = array<i32>} : memref<6256xf32, #tpu.memory_space<vmem>>, vector<16xf32>,
      %mul3A_428 = arith.constant 17 : i32
      %mul3A_429 = arith.muli %scan3A_347, %mul3A_428 : i32
      %add3A_430 = arith.constant 8 : i32
      %add3A_431 = arith.addi %mul3A_429, %add3A_430 : i32
      %mul3A_432 = arith.constant 16 : i32
      %mul3A_433 = arith.muli %add3A_431, %mul3A_432 : i32
      %swap3A_434 = arith.index_cast %mul3A_433 : i32 to index
      %swap3A_435 = tpu.vector_load %arg6[%swap3A_434] {strides = array<i32>} : memref<6256xf32, #tpu.memory_space<vmem>>, vector<16xf32>,
      %swap3A_436 = vector.shape_cast %swap3A_435 : vector<16xf32> to vector<16xf32>
      %swap3A_437 = vector.shape_cast %broadcast_in_dim3A_41 : vector<16xf32> to vector<16xf32>
      tpu.vector_store %arg6[%swap3A_434], %swap3A_437 {strides = array<i32>} : memref<6256xf32, #tpu.memory_space<vmem>>, vector<16xf32>,
      %mul3A_438 = arith.constant 17 : i32
      %mul3A_439 = arith.muli %scan3A_347, %mul3A_438 : i32
      %add3A_440 = arith.constant 9 : i32
      %add3A_441 = arith.addi %mul3A_439, %add3A_440 : i32
      %mul3A_442 = arith.constant 16 : i32
      %mul3A_443 = arith.muli %add3A_441, %mul3A_442 : i32
      %swap3A_444 = arith.index_cast %mul3A_443 : i32 to index
      %swap3A_445 = tpu.vector_load %arg6[%swap3A_444] {strides = array<i32>} : memref<6256xf32, #tpu.memory_space<vmem>>, vector<16xf32>,
      %swap3A_446 = vector.shape_cast %swap3A_445 : vector<16xf32> to vector<16xf32>
      %swap3A_447 = vector.shape_cast %broadcast_in_dim3A_41 : vector<16xf32> to vector<16xf32>
      tpu.vector_store %arg6[%swap3A_444], %swap3A_447 {strides = array<i32>} : memref<6256xf32, #tpu.memory_space<vmem>>, vector<16xf32>,
      %mul3A_448 = arith.constant 17 : i32
      %mul3A_449 = arith.muli %scan3A_347, %mul3A_448 : i32
      %add3A_450 = arith.constant 10 : i32
      %add3A_451 = arith.addi %mul3A_449, %add3A_450 : i32
      %mul3A_452 = arith.constant 16 : i32
      %mul3A_453 = arith.muli %add3A_451, %mul3A_452 : i32
      %swap3A_454 = arith.index_cast %mul3A_453 : i32 to index
      %swap3A_455 = tpu.vector_load %arg6[%swap3A_454] {strides = array<i32>} : memref<6256xf32, #tpu.memory_space<vmem>>, vector<16xf32>,
      %swap3A_456 = vector.shape_cast %swap3A_455 : vector<16xf32> to vector<16xf32>
      %swap3A_457 = vector.shape_cast %broadcast_in_dim3A_41 : vector<16xf32> to vector<16xf32>
      tpu.vector_store %arg6[%swap3A_454], %swap3A_457 {strides = array<i32>} : memref<6256xf32, #tpu.memory_space<vmem>>, vector<16xf32>,
      %mul3A_458 = arith.constant 17 : i32
      %mul3A_459 = arith.muli %scan3A_347, %mul3A_458 : i32
      %add3A_460 = arith.constant 11 : i32
      %add3A_461 = arith.addi %mul3A_459, %add3A_460 : i32
      %mul3A_462 = arith.constant 16 : i32
      %mul3A_463 = arith.muli %add3A_461, %mul3A_462 : i32
      %swap3A_464 = arith.index_cast %mul3A_463 : i32 to index
      %swap3A_465 = tpu.vector_load %arg6[%swap3A_464] {strides = array<i32>} : memref<6256xf32, #tpu.memory_space<vmem>>, vector<16xf32>,
      %swap3A_466 = vector.shape_cast %swap3A_465 : vector<16xf32> to vector<16xf32>
      %swap3A_467 = vector.shape_cast %broadcast_in_dim3A_41 : vector<16xf32> to vector<16xf32>
      tpu.vector_store %arg6[%swap3A_464], %swap3A_467 {strides = array<i32>} : memref<6256xf32, #tpu.memory_space<vmem>>, vector<16xf32>,
      %mul3A_468 = arith.constant 17 : i32
      %mul3A_469 = arith.muli %scan3A_347, %mul3A_468 : i32
      %add3A_470 = arith.constant 12 : i32
      %add3A_471 = arith.addi %mul3A_469, %add3A_470 : i32
      %mul3A_472 = arith.constant 16 : i32
      %mul3A_473 = arith.muli %add3A_471, %mul3A_472 : i32
      %swap3A_474 = arith.index_cast %mul3A_473 : i32 to index
      %swap3A_475 = tpu.vector_load %arg6[%swap3A_474] {strides = array<i32>} : memref<6256xf32, #tpu.memory_space<vmem>>, vector<16xf32>,
      %swap3A_476 = vector.shape_cast %swap3A_475 : vector<16xf32> to vector<16xf32>
      %swap3A_477 = vector.shape_cast %broadcast_in_dim3A_41 : vector<16xf32> to vector<16xf32>
      tpu.vector_store %arg6[%swap3A_474], %swap3A_477 {strides = array<i32>} : memref<6256xf32, #tpu.memory_space<vmem>>, vector<16xf32>,
      %mul3A_478 = arith.constant 17 : i32
      %mul3A_479 = arith.muli %scan3A_347, %mul3A_478 : i32
      %add3A_480 = arith.constant 13 : i32
      %add3A_481 = arith.addi %mul3A_479, %add3A_480 : i32
      %mul3A_482 = arith.constant 16 : i32
      %mul3A_483 = arith.muli %add3A_481, %mul3A_482 : i32
      %swap3A_484 = arith.index_cast %mul3A_483 : i32 to index
      %swap3A_485 = tpu.vector_load %arg6[%swap3A_484] {strides = array<i32>} : memref<6256xf32, #tpu.memory_space<vmem>>, vector<16xf32>,
      %swap3A_486 = vector.shape_cast %swap3A_485 : vector<16xf32> to vector<16xf32>
      %swap3A_487 = vector.shape_cast %broadcast_in_dim3A_41 : vector<16xf32> to vector<16xf32>
      tpu.vector_store %arg6[%swap3A_484], %swap3A_487 {strides = array<i32>} : memref<6256xf32, #tpu.memory_space<vmem>>, vector<16xf32>,
      %mul3A_488 = arith.constant 17 : i32
      %mul3A_489 = arith.muli %scan3A_347, %mul3A_488 : i32
      %add3A_490 = arith.constant 14 : i32
      %add3A_491 = arith.addi %mul3A_489, %add3A_490 : i32
      %mul3A_492 = arith.constant 16 : i32
      %mul3A_493 = arith.muli %add3A_491, %mul3A_492 : i32
      %swap3A_494 = arith.index_cast %mul3A_493 : i32 to index
      %swap3A_495 = tpu.vector_load %arg6[%swap3A_494] {strides = array<i32>} : memref<6256xf32, #tpu.memory_space<vmem>>, vector<16xf32>,
      %swap3A_496 = vector.shape_cast %swap3A_495 : vector<16xf32> to vector<16xf32>
      %swap3A_497 = vector.shape_cast %broadcast_in_dim3A_41 : vector<16xf32> to vector<16xf32>
      tpu.vector_store %arg6[%swap3A_494], %swap3A_497 {strides = array<i32>} : memref<6256xf32, #tpu.memory_space<vmem>>, vector<16xf32>,
      %mul3A_498 = arith.constant 17 : i32
      %mul3A_499 = arith.muli %scan3A_347, %mul3A_498 : i32
      %add3A_500 = arith.constant 15 : i32
      %add3A_501 = arith.addi %mul3A_499, %add3A_500 : i32
      %mul3A_502 = arith.constant 16 : i32
      %mul3A_503 = arith.muli %add3A_501, %mul3A_502 : i32
      %swap3A_504 = arith.index_cast %mul3A_503 : i32 to index
      %swap3A_505 = tpu.vector_load %arg6[%swap3A_504] {strides = array<i32>} : memref<6256xf32, #tpu.memory_space<vmem>>, vector<16xf32>,
      %swap3A_506 = vector.shape_cast %swap3A_505 : vector<16xf32> to vector<16xf32>
      %swap3A_507 = vector.shape_cast %broadcast_in_dim3A_41 : vector<16xf32> to vector<16xf32>
      tpu.vector_store %arg6[%swap3A_504], %swap3A_507 {strides = array<i32>} : memref<6256xf32, #tpu.memory_space<vmem>>, vector<16xf32>,
      %mul3A_508 = arith.constant 17 : i32
      %mul3A_509 = arith.muli %scan3A_347, %mul3A_508 : i32
      %add3A_510 = arith.constant 16 : i32
      %add3A_511 = arith.addi %mul3A_509, %add3A_510 : i32
      %mul3A_512 = arith.constant 16 : i32
      %mul3A_513 = arith.muli %add3A_511, %mul3A_512 : i32
      %swap3A_514 = arith.index_cast %mul3A_513 : i32 to index
      %swap3A_515 = tpu.vector_load %arg6[%swap3A_514] {strides = array<i32>} : memref<6256xf32, #tpu.memory_space<vmem>>, vector<16xf32>,
      %swap3A_516 = vector.shape_cast %swap3A_515 : vector<16xf32> to vector<16xf32>
      %swap3A_517 = vector.shape_cast %broadcast_in_dim3A_41 : vector<16xf32> to vector<16xf32>
      tpu.vector_store %arg6[%swap3A_514], %swap3A_517 {strides = array<i32>} : memref<6256xf32, #tpu.memory_space<vmem>>, vector<16xf32>,
    }
    %scan3A_46 = arith.constant 23 : i32
    %mul3A_47 = arith.constant 6256 : i32
    %mul3A_48 = arith.muli %arg1, %mul3A_47 : i32
    "tpu.region"() ({
      %run_scoped3A = tpu.sem_alloc : memref<!tpu.dma_semaphore, #tpu.memory_space<semaphore_mem>>
      %dma_start3A_347 = tpu.memref_slice %arg7[%mul3A_48] : memref<100096xf32, #tpu.memory_space<vmem_shared>> -> memref<6256xf32, #tpu.memory_space<vmem_shared>>
      %dma_start3A_348 = tpu.memref_slice %arg7[%mul3A_48] : memref<100096xf32, #tpu.memory_space<vmem_shared>> -> memref<6256xf32, #tpu.memory_space<vmem_shared>>
      tpu.enqueue_dma source(%arg6 : memref<6256xf32, #tpu.memory_space<vmem>>) target(%dma_start3A_348 : memref<6256xf32, #tpu.memory_space<vmem_shared>>) target_semaphore(%run_scoped3A : memref<!tpu.dma_semaphore, #tpu.memory_space<semaphore_mem>>)
      %dma_wait3A_349 = tpu.memref_slice %arg7[%mul3A_48] : memref<100096xf32, #tpu.memory_space<vmem_shared>> -> memref<6256xf32, #tpu.memory_space<vmem_shared>>
      %dma_wait3A_350 = tpu.memref_slice %arg7[%mul3A_48] : memref<100096xf32, #tpu.memory_space<vmem_shared>> -> memref<6256xf32, #tpu.memory_space<vmem_shared>>
      tpu.wait_dma2 semaphore(%run_scoped3A : memref<!tpu.dma_semaphore, #tpu.memory_space<semaphore_mem>>) src(%arg6 : memref<6256xf32, #tpu.memory_space<vmem>>) dst(%dma_wait3A_350 : memref<6256xf32, #tpu.memory_space<vmem_shared>>)
      tpu.yield
    }) : () -> ()
    %dma_wait3A = arith.constant 0 : i32
    %dma_wait3A_49 = arith.constant 0 : i32
    %dma_wait3A_50 = tpu.memref_slice %arg2[%add3A, %dma_wait3A, %dma_wait3A_49] : memref<32x24x128xi32, #tpu.memory_space<hbm>> -> memref<1x24x128xi32, #tpu.memory_space<hbm>>
    %dma_wait3A_51 = tpu.memref_squeeze %dma_wait3A_50 : memref<1x24x128xi32, #tpu.memory_space<hbm>> -> memref<24x128xi32, #tpu.memory_space<hbm>>
    %dma_wait3A_52 = arith.constant 0 : i32
    %dma_wait3A_53 = arith.constant 0 : i32
    %dma_wait3A_54 = tpu.memref_slice %arg2[%add3A, %dma_wait3A_52, %dma_wait3A_53] : memref<32x24x128xi32, #tpu.memory_space<hbm>> -> memref<1x24x128xi32, #tpu.memory_space<hbm>>
    %dma_wait3A_55 = tpu.memref_squeeze %dma_wait3A_54 : memref<1x24x128xi32, #tpu.memory_space<hbm>> -> memref<24x128xi32, #tpu.memory_space<hbm>>
    tpu.wait_dma2 semaphore(%arg8 : memref<!tpu.dma_semaphore, #tpu.memory_space<semaphore_mem>>) src(%dma_wait3A_55 : memref<24x128xi32, #tpu.memory_space<hbm>>) dst(%arg4 : memref<24x128xi32, #tpu.memory_space<vmem>>)
    %barrier3A = arith.constant 0 : index
    tpu.barrier barrier_id(%barrier3A)
    %dma_start3A_56 = arith.constant 0 : i32
    %dma_start3A_57 = arith.constant 0 : i32
    %dma_start3A_58 = tpu.memref_slice %arg4[%dma_start3A_56, %dma_start3A_57] : memref<24x128xi32, #tpu.memory_space<vmem>> -> memref<1x128xi32, #tpu.memory_space<vmem>>
    %dma_start3A_59 = tpu.memref_squeeze %dma_start3A_58 : memref<1x128xi32, #tpu.memory_space<vmem>> -> memref<128xi32, #tpu.memory_space<vmem>>
    %dma_start3A_60 = arith.constant 0 : i32
    %dma_start3A_61 = tpu.memref_slice %arg7[%dma_start3A_60] : memref<100096xf32, #tpu.memory_space<vmem_shared>> -> memref<100096xf32, #tpu.memory_space<vmem_shared>>
    tpu.enqueue_indirect_dma source(%arg5 : memref<128xf32, #tpu.memory_space<vmem>>) target(%dma_start3A_61 : memref<100096xf32, #tpu.memory_space<vmem_shared>>) offsets(%dma_start3A_59 : memref<128xi32, #tpu.memory_space<vmem>>) semaphore(%arg9 : memref<!tpu.dma_semaphore, #tpu.memory_space<semaphore_mem>>) {add = true}
    %dma_start3A_62 = arith.constant 1 : i32
    %dma_start3A_63 = arith.constant 0 : i32
    %dma_start3A_64 = tpu.memref_slice %arg4[%dma_start3A_62, %dma_start3A_63] : memref<24x128xi32, #tpu.memory_space<vmem>> -> memref<1x128xi32, #tpu.memory_space<vmem>>
    %dma_start3A_65 = tpu.memref_squeeze %dma_start3A_64 : memref<1x128xi32, #tpu.memory_space<vmem>> -> memref<128xi32, #tpu.memory_space<vmem>>
    %dma_start3A_66 = arith.constant 0 : i32
    %dma_start3A_67 = tpu.memref_slice %arg7[%dma_start3A_66] : memref<100096xf32, #tpu.memory_space<vmem_shared>> -> memref<100096xf32, #tpu.memory_space<vmem_shared>>
    tpu.enqueue_indirect_dma source(%arg5 : memref<128xf32, #tpu.memory_space<vmem>>) target(%dma_start3A_67 : memref<100096xf32, #tpu.memory_space<vmem_shared>>) offsets(%dma_start3A_65 : memref<128xi32, #tpu.memory_space<vmem>>) semaphore(%arg9 : memref<!tpu.dma_semaphore, #tpu.memory_space<semaphore_mem>>) {add = true}
    %dma_start3A_68 = arith.constant 2 : i32
    %dma_start3A_69 = arith.constant 0 : i32
    %dma_start3A_70 = tpu.memref_slice %arg4[%dma_start3A_68, %dma_start3A_69] : memref<24x128xi32, #tpu.memory_space<vmem>> -> memref<1x128xi32, #tpu.memory_space<vmem>>
    %dma_start3A_71 = tpu.memref_squeeze %dma_start3A_70 : memref<1x128xi32, #tpu.memory_space<vmem>> -> memref<128xi32, #tpu.memory_space<vmem>>
    %dma_start3A_72 = arith.constant 0 : i32
    %dma_start3A_73 = tpu.memref_slice %arg7[%dma_start3A_72] : memref<100096xf32, #tpu.memory_space<vmem_shared>> -> memref<100096xf32, #tpu.memory_space<vmem_shared>>
    tpu.enqueue_indirect_dma source(%arg5 : memref<128xf32, #tpu.memory_space<vmem>>) target(%dma_start3A_73 : memref<100096xf32, #tpu.memory_space<vmem_shared>>) offsets(%dma_start3A_71 : memref<128xi32, #tpu.memory_space<vmem>>) semaphore(%arg9 : memref<!tpu.dma_semaphore, #tpu.memory_space<semaphore_mem>>) {add = true}
    %dma_start3A_74 = arith.constant 3 : i32
    %dma_start3A_75 = arith.constant 0 : i32
    %dma_start3A_76 = tpu.memref_slice %arg4[%dma_start3A_74, %dma_start3A_75] : memref<24x128xi32, #tpu.memory_space<vmem>> -> memref<1x128xi32, #tpu.memory_space<vmem>>
    %dma_start3A_77 = tpu.memref_squeeze %dma_start3A_76 : memref<1x128xi32, #tpu.memory_space<vmem>> -> memref<128xi32, #tpu.memory_space<vmem>>
    %dma_start3A_78 = arith.constant 0 : i32
    %dma_start3A_79 = tpu.memref_slice %arg7[%dma_start3A_78] : memref<100096xf32, #tpu.memory_space<vmem_shared>> -> memref<100096xf32, #tpu.memory_space<vmem_shared>>
    tpu.enqueue_indirect_dma source(%arg5 : memref<128xf32, #tpu.memory_space<vmem>>) target(%dma_start3A_79 : memref<100096xf32, #tpu.memory_space<vmem_shared>>) offsets(%dma_start3A_77 : memref<128xi32, #tpu.memory_space<vmem>>) semaphore(%arg9 : memref<!tpu.dma_semaphore, #tpu.memory_space<semaphore_mem>>) {add = true}
    %dma_start3A_80 = arith.constant 4 : i32
    %dma_start3A_81 = arith.constant 0 : i32
    %dma_start3A_82 = tpu.memref_slice %arg4[%dma_start3A_80, %dma_start3A_81] : memref<24x128xi32, #tpu.memory_space<vmem>> -> memref<1x128xi32, #tpu.memory_space<vmem>>
    %dma_start3A_83 = tpu.memref_squeeze %dma_start3A_82 : memref<1x128xi32, #tpu.memory_space<vmem>> -> memref<128xi32, #tpu.memory_space<vmem>>
    %dma_start3A_84 = arith.constant 0 : i32
    %dma_start3A_85 = tpu.memref_slice %arg7[%dma_start3A_84] : memref<100096xf32, #tpu.memory_space<vmem_shared>> -> memref<100096xf32, #tpu.memory_space<vmem_shared>>
    tpu.enqueue_indirect_dma source(%arg5 : memref<128xf32, #tpu.memory_space<vmem>>) target(%dma_start3A_85 : memref<100096xf32, #tpu.memory_space<vmem_shared>>) offsets(%dma_start3A_83 : memref<128xi32, #tpu.memory_space<vmem>>) semaphore(%arg9 : memref<!tpu.dma_semaphore, #tpu.memory_space<semaphore_mem>>) {add = true}
    %dma_start3A_86 = arith.constant 5 : i32
    %dma_start3A_87 = arith.constant 0 : i32
    %dma_start3A_88 = tpu.memref_slice %arg4[%dma_start3A_86, %dma_start3A_87] : memref<24x128xi32, #tpu.memory_space<vmem>> -> memref<1x128xi32, #tpu.memory_space<vmem>>
    %dma_start3A_89 = tpu.memref_squeeze %dma_start3A_88 : memref<1x128xi32, #tpu.memory_space<vmem>> -> memref<128xi32, #tpu.memory_space<vmem>>
    %dma_start3A_90 = arith.constant 0 : i32
    %dma_start3A_91 = tpu.memref_slice %arg7[%dma_start3A_90] : memref<100096xf32, #tpu.memory_space<vmem_shared>> -> memref<100096xf32, #tpu.memory_space<vmem_shared>>
    tpu.enqueue_indirect_dma source(%arg5 : memref<128xf32, #tpu.memory_space<vmem>>) target(%dma_start3A_91 : memref<100096xf32, #tpu.memory_space<vmem_shared>>) offsets(%dma_start3A_89 : memref<128xi32, #tpu.memory_space<vmem>>) semaphore(%arg9 : memref<!tpu.dma_semaphore, #tpu.memory_space<semaphore_mem>>) {add = true}
    %dma_start3A_92 = arith.constant 6 : i32
    %dma_start3A_93 = arith.constant 0 : i32
    %dma_start3A_94 = tpu.memref_slice %arg4[%dma_start3A_92, %dma_start3A_93] : memref<24x128xi32, #tpu.memory_space<vmem>> -> memref<1x128xi32, #tpu.memory_space<vmem>>
    %dma_start3A_95 = tpu.memref_squeeze %dma_start3A_94 : memref<1x128xi32, #tpu.memory_space<vmem>> -> memref<128xi32, #tpu.memory_space<vmem>>
    %dma_start3A_96 = arith.constant 0 : i32
    %dma_start3A_97 = tpu.memref_slice %arg7[%dma_start3A_96] : memref<100096xf32, #tpu.memory_space<vmem_shared>> -> memref<100096xf32, #tpu.memory_space<vmem_shared>>
    tpu.enqueue_indirect_dma source(%arg5 : memref<128xf32, #tpu.memory_space<vmem>>) target(%dma_start3A_97 : memref<100096xf32, #tpu.memory_space<vmem_shared>>) offsets(%dma_start3A_95 : memref<128xi32, #tpu.memory_space<vmem>>) semaphore(%arg9 : memref<!tpu.dma_semaphore, #tpu.memory_space<semaphore_mem>>) {add = true}
    %dma_start3A_98 = arith.constant 7 : i32
    %dma_start3A_99 = arith.constant 0 : i32
    %dma_start3A_100 = tpu.memref_slice %arg4[%dma_start3A_98, %dma_start3A_99] : memref<24x128xi32, #tpu.memory_space<vmem>> -> memref<1x128xi32, #tpu.memory_space<vmem>>
    %dma_start3A_101 = tpu.memref_squeeze %dma_start3A_100 : memref<1x128xi32, #tpu.memory_space<vmem>> -> memref<128xi32, #tpu.memory_space<vmem>>
    %dma_start3A_102 = arith.constant 0 : i32
    %dma_start3A_103 = tpu.memref_slice %arg7[%dma_start3A_102] : memref<100096xf32, #tpu.memory_space<vmem_shared>> -> memref<100096xf32, #tpu.memory_space<vmem_shared>>
    tpu.enqueue_indirect_dma source(%arg5 : memref<128xf32, #tpu.memory_space<vmem>>) target(%dma_start3A_103 : memref<100096xf32, #tpu.memory_space<vmem_shared>>) offsets(%dma_start3A_101 : memref<128xi32, #tpu.memory_space<vmem>>) semaphore(%arg9 : memref<!tpu.dma_semaphore, #tpu.memory_space<semaphore_mem>>) {add = true}
    %dma_start3A_104 = arith.constant 8 : i32
    %dma_start3A_105 = arith.constant 0 : i32
    %dma_start3A_106 = tpu.memref_slice %arg4[%dma_start3A_104, %dma_start3A_105] : memref<24x128xi32, #tpu.memory_space<vmem>> -> memref<1x128xi32, #tpu.memory_space<vmem>>
    %dma_start3A_107 = tpu.memref_squeeze %dma_start3A_106 : memref<1x128xi32, #tpu.memory_space<vmem>> -> memref<128xi32, #tpu.memory_space<vmem>>
    %dma_start3A_108 = arith.constant 0 : i32
    %dma_start3A_109 = tpu.memref_slice %arg7[%dma_start3A_108] : memref<100096xf32, #tpu.memory_space<vmem_shared>> -> memref<100096xf32, #tpu.memory_space<vmem_shared>>
    tpu.enqueue_indirect_dma source(%arg5 : memref<128xf32, #tpu.memory_space<vmem>>) target(%dma_start3A_109 : memref<100096xf32, #tpu.memory_space<vmem_shared>>) offsets(%dma_start3A_107 : memref<128xi32, #tpu.memory_space<vmem>>) semaphore(%arg9 : memref<!tpu.dma_semaphore, #tpu.memory_space<semaphore_mem>>) {add = true}
    %dma_start3A_110 = arith.constant 9 : i32
    %dma_start3A_111 = arith.constant 0 : i32
    %dma_start3A_112 = tpu.memref_slice %arg4[%dma_start3A_110, %dma_start3A_111] : memref<24x128xi32, #tpu.memory_space<vmem>> -> memref<1x128xi32, #tpu.memory_space<vmem>>
    %dma_start3A_113 = tpu.memref_squeeze %dma_start3A_112 : memref<1x128xi32, #tpu.memory_space<vmem>> -> memref<128xi32, #tpu.memory_space<vmem>>
    %dma_start3A_114 = arith.constant 0 : i32
    %dma_start3A_115 = tpu.memref_slice %arg7[%dma_start3A_114] : memref<100096xf32, #tpu.memory_space<vmem_shared>> -> memref<100096xf32, #tpu.memory_space<vmem_shared>>
    tpu.enqueue_indirect_dma source(%arg5 : memref<128xf32, #tpu.memory_space<vmem>>) target(%dma_start3A_115 : memref<100096xf32, #tpu.memory_space<vmem_shared>>) offsets(%dma_start3A_113 : memref<128xi32, #tpu.memory_space<vmem>>) semaphore(%arg9 : memref<!tpu.dma_semaphore, #tpu.memory_space<semaphore_mem>>) {add = true}
    %dma_start3A_116 = arith.constant 10 : i32
    %dma_start3A_117 = arith.constant 0 : i32
    %dma_start3A_118 = tpu.memref_slice %arg4[%dma_start3A_116, %dma_start3A_117] : memref<24x128xi32, #tpu.memory_space<vmem>> -> memref<1x128xi32, #tpu.memory_space<vmem>>
    %dma_start3A_119 = tpu.memref_squeeze %dma_start3A_118 : memref<1x128xi32, #tpu.memory_space<vmem>> -> memref<128xi32, #tpu.memory_space<vmem>>
    %dma_start3A_120 = arith.constant 0 : i32
    %dma_start3A_121 = tpu.memref_slice %arg7[%dma_start3A_120] : memref<100096xf32, #tpu.memory_space<vmem_shared>> -> memref<100096xf32, #tpu.memory_space<vmem_shared>>
    tpu.enqueue_indirect_dma source(%arg5 : memref<128xf32, #tpu.memory_space<vmem>>) target(%dma_start3A_121 : memref<100096xf32, #tpu.memory_space<vmem_shared>>) offsets(%dma_start3A_119 : memref<128xi32, #tpu.memory_space<vmem>>) semaphore(%arg9 : memref<!tpu.dma_semaphore, #tpu.memory_space<semaphore_mem>>) {add = true}
    %dma_start3A_122 = arith.constant 11 : i32
    %dma_start3A_123 = arith.constant 0 : i32
    %dma_start3A_124 = tpu.memref_slice %arg4[%dma_start3A_122, %dma_start3A_123] : memref<24x128xi32, #tpu.memory_space<vmem>> -> memref<1x128xi32, #tpu.memory_space<vmem>>
    %dma_start3A_125 = tpu.memref_squeeze %dma_start3A_124 : memref<1x128xi32, #tpu.memory_space<vmem>> -> memref<128xi32, #tpu.memory_space<vmem>>
    %dma_start3A_126 = arith.constant 0 : i32
    %dma_start3A_127 = tpu.memref_slice %arg7[%dma_start3A_126] : memref<100096xf32, #tpu.memory_space<vmem_shared>> -> memref<100096xf32, #tpu.memory_space<vmem_shared>>
    tpu.enqueue_indirect_dma source(%arg5 : memref<128xf32, #tpu.memory_space<vmem>>) target(%dma_start3A_127 : memref<100096xf32, #tpu.memory_space<vmem_shared>>) offsets(%dma_start3A_125 : memref<128xi32, #tpu.memory_space<vmem>>) semaphore(%arg9 : memref<!tpu.dma_semaphore, #tpu.memory_space<semaphore_mem>>) {add = true}
    %dma_start3A_128 = arith.constant 12 : i32
    %dma_start3A_129 = arith.constant 0 : i32
    %dma_start3A_130 = tpu.memref_slice %arg4[%dma_start3A_128, %dma_start3A_129] : memref<24x128xi32, #tpu.memory_space<vmem>> -> memref<1x128xi32, #tpu.memory_space<vmem>>
    %dma_start3A_131 = tpu.memref_squeeze %dma_start3A_130 : memref<1x128xi32, #tpu.memory_space<vmem>> -> memref<128xi32, #tpu.memory_space<vmem>>
    %dma_start3A_132 = arith.constant 0 : i32
    %dma_start3A_133 = tpu.memref_slice %arg7[%dma_start3A_132] : memref<100096xf32, #tpu.memory_space<vmem_shared>> -> memref<100096xf32, #tpu.memory_space<vmem_shared>>
    tpu.enqueue_indirect_dma source(%arg5 : memref<128xf32, #tpu.memory_space<vmem>>) target(%dma_start3A_133 : memref<100096xf32, #tpu.memory_space<vmem_shared>>) offsets(%dma_start3A_131 : memref<128xi32, #tpu.memory_space<vmem>>) semaphore(%arg9 : memref<!tpu.dma_semaphore, #tpu.memory_space<semaphore_mem>>) {add = true}
    %dma_start3A_134 = arith.constant 13 : i32
    %dma_start3A_135 = arith.constant 0 : i32
    %dma_start3A_136 = tpu.memref_slice %arg4[%dma_start3A_134, %dma_start3A_135] : memref<24x128xi32, #tpu.memory_space<vmem>> -> memref<1x128xi32, #tpu.memory_space<vmem>>
    %dma_start3A_137 = tpu.memref_squeeze %dma_start3A_136 : memref<1x128xi32, #tpu.memory_space<vmem>> -> memref<128xi32, #tpu.memory_space<vmem>>
    %dma_start3A_138 = arith.constant 0 : i32
    %dma_start3A_139 = tpu.memref_slice %arg7[%dma_start3A_138] : memref<100096xf32, #tpu.memory_space<vmem_shared>> -> memref<100096xf32, #tpu.memory_space<vmem_shared>>
    tpu.enqueue_indirect_dma source(%arg5 : memref<128xf32, #tpu.memory_space<vmem>>) target(%dma_start3A_139 : memref<100096xf32, #tpu.memory_space<vmem_shared>>) offsets(%dma_start3A_137 : memref<128xi32, #tpu.memory_space<vmem>>) semaphore(%arg9 : memref<!tpu.dma_semaphore, #tpu.memory_space<semaphore_mem>>) {add = true}
    %dma_start3A_140 = arith.constant 14 : i32
    %dma_start3A_141 = arith.constant 0 : i32
    %dma_start3A_142 = tpu.memref_slice %arg4[%dma_start3A_140, %dma_start3A_141] : memref<24x128xi32, #tpu.memory_space<vmem>> -> memref<1x128xi32, #tpu.memory_space<vmem>>
    %dma_start3A_143 = tpu.memref_squeeze %dma_start3A_142 : memref<1x128xi32, #tpu.memory_space<vmem>> -> memref<128xi32, #tpu.memory_space<vmem>>
    %dma_start3A_144 = arith.constant 0 : i32
    %dma_start3A_145 = tpu.memref_slice %arg7[%dma_start3A_144] : memref<100096xf32, #tpu.memory_space<vmem_shared>> -> memref<100096xf32, #tpu.memory_space<vmem_shared>>
    tpu.enqueue_indirect_dma source(%arg5 : memref<128xf32, #tpu.memory_space<vmem>>) target(%dma_start3A_145 : memref<100096xf32, #tpu.memory_space<vmem_shared>>) offsets(%dma_start3A_143 : memref<128xi32, #tpu.memory_space<vmem>>) semaphore(%arg9 : memref<!tpu.dma_semaphore, #tpu.memory_space<semaphore_mem>>) {add = true}
    %dma_start3A_146 = arith.constant 15 : i32
    %dma_start3A_147 = arith.constant 0 : i32
    %dma_start3A_148 = tpu.memref_slice %arg4[%dma_start3A_146, %dma_start3A_147] : memref<24x128xi32, #tpu.memory_space<vmem>> -> memref<1x128xi32, #tpu.memory_space<vmem>>
    %dma_start3A_149 = tpu.memref_squeeze %dma_start3A_148 : memref<1x128xi32, #tpu.memory_space<vmem>> -> memref<128xi32, #tpu.memory_space<vmem>>
    %dma_start3A_150 = arith.constant 0 : i32
    %dma_start3A_151 = tpu.memref_slice %arg7[%dma_start3A_150] : memref<100096xf32, #tpu.memory_space<vmem_shared>> -> memref<100096xf32, #tpu.memory_space<vmem_shared>>
    tpu.enqueue_indirect_dma source(%arg5 : memref<128xf32, #tpu.memory_space<vmem>>) target(%dma_start3A_151 : memref<100096xf32, #tpu.memory_space<vmem_shared>>) offsets(%dma_start3A_149 : memref<128xi32, #tpu.memory_space<vmem>>) semaphore(%arg9 : memref<!tpu.dma_semaphore, #tpu.memory_space<semaphore_mem>>) {add = true}
    %dma_start3A_152 = arith.constant 16 : i32
    %dma_start3A_153 = arith.constant 0 : i32
    %dma_start3A_154 = tpu.memref_slice %arg4[%dma_start3A_152, %dma_start3A_153] : memref<24x128xi32, #tpu.memory_space<vmem>> -> memref<1x128xi32, #tpu.memory_space<vmem>>
    %dma_start3A_155 = tpu.memref_squeeze %dma_start3A_154 : memref<1x128xi32, #tpu.memory_space<vmem>> -> memref<128xi32, #tpu.memory_space<vmem>>
    %dma_start3A_156 = arith.constant 0 : i32
    %dma_start3A_157 = tpu.memref_slice %arg7[%dma_start3A_156] : memref<100096xf32, #tpu.memory_space<vmem_shared>> -> memref<100096xf32, #tpu.memory_space<vmem_shared>>
    tpu.enqueue_indirect_dma source(%arg5 : memref<128xf32, #tpu.memory_space<vmem>>) target(%dma_start3A_157 : memref<100096xf32, #tpu.memory_space<vmem_shared>>) offsets(%dma_start3A_155 : memref<128xi32, #tpu.memory_space<vmem>>) semaphore(%arg9 : memref<!tpu.dma_semaphore, #tpu.memory_space<semaphore_mem>>) {add = true}
    %dma_start3A_158 = arith.constant 17 : i32
    %dma_start3A_159 = arith.constant 0 : i32
    %dma_start3A_160 = tpu.memref_slice %arg4[%dma_start3A_158, %dma_start3A_159] : memref<24x128xi32, #tpu.memory_space<vmem>> -> memref<1x128xi32, #tpu.memory_space<vmem>>
    %dma_start3A_161 = tpu.memref_squeeze %dma_start3A_160 : memref<1x128xi32, #tpu.memory_space<vmem>> -> memref<128xi32, #tpu.memory_space<vmem>>
    %dma_start3A_162 = arith.constant 0 : i32
    %dma_start3A_163 = tpu.memref_slice %arg7[%dma_start3A_162] : memref<100096xf32, #tpu.memory_space<vmem_shared>> -> memref<100096xf32, #tpu.memory_space<vmem_shared>>
    tpu.enqueue_indirect_dma source(%arg5 : memref<128xf32, #tpu.memory_space<vmem>>) target(%dma_start3A_163 : memref<100096xf32, #tpu.memory_space<vmem_shared>>) offsets(%dma_start3A_161 : memref<128xi32, #tpu.memory_space<vmem>>) semaphore(%arg9 : memref<!tpu.dma_semaphore, #tpu.memory_space<semaphore_mem>>) {add = true}
    %dma_start3A_164 = arith.constant 18 : i32
    %dma_start3A_165 = arith.constant 0 : i32
    %dma_start3A_166 = tpu.memref_slice %arg4[%dma_start3A_164, %dma_start3A_165] : memref<24x128xi32, #tpu.memory_space<vmem>> -> memref<1x128xi32, #tpu.memory_space<vmem>>
    %dma_start3A_167 = tpu.memref_squeeze %dma_start3A_166 : memref<1x128xi32, #tpu.memory_space<vmem>> -> memref<128xi32, #tpu.memory_space<vmem>>
    %dma_start3A_168 = arith.constant 0 : i32
    %dma_start3A_169 = tpu.memref_slice %arg7[%dma_start3A_168] : memref<100096xf32, #tpu.memory_space<vmem_shared>> -> memref<100096xf32, #tpu.memory_space<vmem_shared>>
    tpu.enqueue_indirect_dma source(%arg5 : memref<128xf32, #tpu.memory_space<vmem>>) target(%dma_start3A_169 : memref<100096xf32, #tpu.memory_space<vmem_shared>>) offsets(%dma_start3A_167 : memref<128xi32, #tpu.memory_space<vmem>>) semaphore(%arg9 : memref<!tpu.dma_semaphore, #tpu.memory_space<semaphore_mem>>) {add = true}
    %dma_start3A_170 = arith.constant 19 : i32
    %dma_start3A_171 = arith.constant 0 : i32
    %dma_start3A_172 = tpu.memref_slice %arg4[%dma_start3A_170, %dma_start3A_171] : memref<24x128xi32, #tpu.memory_space<vmem>> -> memref<1x128xi32, #tpu.memory_space<vmem>>
    %dma_start3A_173 = tpu.memref_squeeze %dma_start3A_172 : memref<1x128xi32, #tpu.memory_space<vmem>> -> memref<128xi32, #tpu.memory_space<vmem>>
    %dma_start3A_174 = arith.constant 0 : i32
    %dma_start3A_175 = tpu.memref_slice %arg7[%dma_start3A_174] : memref<100096xf32, #tpu.memory_space<vmem_shared>> -> memref<100096xf32, #tpu.memory_space<vmem_shared>>
    tpu.enqueue_indirect_dma source(%arg5 : memref<128xf32, #tpu.memory_space<vmem>>) target(%dma_start3A_175 : memref<100096xf32, #tpu.memory_space<vmem_shared>>) offsets(%dma_start3A_173 : memref<128xi32, #tpu.memory_space<vmem>>) semaphore(%arg9 : memref<!tpu.dma_semaphore, #tpu.memory_space<semaphore_mem>>) {add = true}
    %dma_start3A_176 = arith.constant 20 : i32
    %dma_start3A_177 = arith.constant 0 : i32
    %dma_start3A_178 = tpu.memref_slice %arg4[%dma_start3A_176, %dma_start3A_177] : memref<24x128xi32, #tpu.memory_space<vmem>> -> memref<1x128xi32, #tpu.memory_space<vmem>>
    %dma_start3A_179 = tpu.memref_squeeze %dma_start3A_178 : memref<1x128xi32, #tpu.memory_space<vmem>> -> memref<128xi32, #tpu.memory_space<vmem>>
    %dma_start3A_180 = arith.constant 0 : i32
    %dma_start3A_181 = tpu.memref_slice %arg7[%dma_start3A_180] : memref<100096xf32, #tpu.memory_space<vmem_shared>> -> memref<100096xf32, #tpu.memory_space<vmem_shared>>
    tpu.enqueue_indirect_dma source(%arg5 : memref<128xf32, #tpu.memory_space<vmem>>) target(%dma_start3A_181 : memref<100096xf32, #tpu.memory_space<vmem_shared>>) offsets(%dma_start3A_179 : memref<128xi32, #tpu.memory_space<vmem>>) semaphore(%arg9 : memref<!tpu.dma_semaphore, #tpu.memory_space<semaphore_mem>>) {add = true}
    %dma_start3A_182 = arith.constant 21 : i32
    %dma_start3A_183 = arith.constant 0 : i32
    %dma_start3A_184 = tpu.memref_slice %arg4[%dma_start3A_182, %dma_start3A_183] : memref<24x128xi32, #tpu.memory_space<vmem>> -> memref<1x128xi32, #tpu.memory_space<vmem>>
    %dma_start3A_185 = tpu.memref_squeeze %dma_start3A_184 : memref<1x128xi32, #tpu.memory_space<vmem>> -> memref<128xi32, #tpu.memory_space<vmem>>
    %dma_start3A_186 = arith.constant 0 : i32
    %dma_start3A_187 = tpu.memref_slice %arg7[%dma_start3A_186] : memref<100096xf32, #tpu.memory_space<vmem_shared>> -> memref<100096xf32, #tpu.memory_space<vmem_shared>>
    tpu.enqueue_indirect_dma source(%arg5 : memref<128xf32, #tpu.memory_space<vmem>>) target(%dma_start3A_187 : memref<100096xf32, #tpu.memory_space<vmem_shared>>) offsets(%dma_start3A_185 : memref<128xi32, #tpu.memory_space<vmem>>) semaphore(%arg9 : memref<!tpu.dma_semaphore, #tpu.memory_space<semaphore_mem>>) {add = true}
    %dma_start3A_188 = arith.constant 22 : i32
    %dma_start3A_189 = arith.constant 0 : i32
    %dma_start3A_190 = tpu.memref_slice %arg4[%dma_start3A_188, %dma_start3A_189] : memref<24x128xi32, #tpu.memory_space<vmem>> -> memref<1x128xi32, #tpu.memory_space<vmem>>
    %dma_start3A_191 = tpu.memref_squeeze %dma_start3A_190 : memref<1x128xi32, #tpu.memory_space<vmem>> -> memref<128xi32, #tpu.memory_space<vmem>>
    %dma_start3A_192 = arith.constant 0 : i32
    %dma_start3A_193 = tpu.memref_slice %arg7[%dma_start3A_192] : memref<100096xf32, #tpu.memory_space<vmem_shared>> -> memref<100096xf32, #tpu.memory_space<vmem_shared>>
    tpu.enqueue_indirect_dma source(%arg5 : memref<128xf32, #tpu.memory_space<vmem>>) target(%dma_start3A_193 : memref<100096xf32, #tpu.memory_space<vmem_shared>>) offsets(%dma_start3A_191 : memref<128xi32, #tpu.memory_space<vmem>>) semaphore(%arg9 : memref<!tpu.dma_semaphore, #tpu.memory_space<semaphore_mem>>) {add = true}
    %dma_start3A_194 = arith.constant 23 : i32
    %dma_start3A_195 = arith.constant 0 : i32
    %dma_start3A_196 = tpu.memref_slice %arg4[%dma_start3A_194, %dma_start3A_195] : memref<24x128xi32, #tpu.memory_space<vmem>> -> memref<1x128xi32, #tpu.memory_space<vmem>>
    %dma_start3A_197 = tpu.memref_squeeze %dma_start3A_196 : memref<1x128xi32, #tpu.memory_space<vmem>> -> memref<128xi32, #tpu.memory_space<vmem>>
    %dma_start3A_198 = arith.constant 0 : i32
    %dma_start3A_199 = tpu.memref_slice %arg7[%dma_start3A_198] : memref<100096xf32, #tpu.memory_space<vmem_shared>> -> memref<100096xf32, #tpu.memory_space<vmem_shared>>
    tpu.enqueue_indirect_dma source(%arg5 : memref<128xf32, #tpu.memory_space<vmem>>) target(%dma_start3A_199 : memref<100096xf32, #tpu.memory_space<vmem_shared>>) offsets(%dma_start3A_197 : memref<128xi32, #tpu.memory_space<vmem>>) semaphore(%arg9 : memref<!tpu.dma_semaphore, #tpu.memory_space<semaphore_mem>>) {add = true}
    %dma_wait3A_200 = arith.constant 0 : i32
    %dma_wait3A_201 = arith.constant 0 : i32
    %dma_wait3A_202 = tpu.memref_slice %arg4[%dma_wait3A_200, %dma_wait3A_201] : memref<24x128xi32, #tpu.memory_space<vmem>> -> memref<1x128xi32, #tpu.memory_space<vmem>>
    %dma_wait3A_203 = tpu.memref_squeeze %dma_wait3A_202 : memref<1x128xi32, #tpu.memory_space<vmem>> -> memref<128xi32, #tpu.memory_space<vmem>>
    %dma_wait3A_204 = arith.constant 0 : i32
    %dma_wait3A_205 = tpu.memref_slice %arg7[%dma_wait3A_204] : memref<100096xf32, #tpu.memory_space<vmem_shared>> -> memref<100096xf32, #tpu.memory_space<vmem_shared>>
    tpu.wait_indirect_dma semaphore(%arg9 : memref<!tpu.dma_semaphore, #tpu.memory_space<semaphore_mem>>) src(%arg5 : memref<128xf32, #tpu.memory_space<vmem>>) dst(%dma_wait3A_205 : memref<100096xf32, #tpu.memory_space<vmem_shared>>)
    %dma_wait3A_206 = arith.constant 1 : i32
    %dma_wait3A_207 = arith.constant 0 : i32
    %dma_wait3A_208 = tpu.memref_slice %arg4[%dma_wait3A_206, %dma_wait3A_207] : memref<24x128xi32, #tpu.memory_space<vmem>> -> memref<1x128xi32, #tpu.memory_space<vmem>>
    %dma_wait3A_209 = tpu.memref_squeeze %dma_wait3A_208 : memref<1x128xi32, #tpu.memory_space<vmem>> -> memref<128xi32, #tpu.memory_space<vmem>>
    %dma_wait3A_210 = arith.constant 0 : i32
    %dma_wait3A_211 = tpu.memref_slice %arg7[%dma_wait3A_210] : memref<100096xf32, #tpu.memory_space<vmem_shared>> -> memref<100096xf32, #tpu.memory_space<vmem_shared>>
    tpu.wait_indirect_dma semaphore(%arg9 : memref<!tpu.dma_semaphore, #tpu.memory_space<semaphore_mem>>) src(%arg5 : memref<128xf32, #tpu.memory_space<vmem>>) dst(%dma_wait3A_211 : memref<100096xf32, #tpu.memory_space<vmem_shared>>)
    %dma_wait3A_212 = arith.constant 2 : i32
    %dma_wait3A_213 = arith.constant 0 : i32
    %dma_wait3A_214 = tpu.memref_slice %arg4[%dma_wait3A_212, %dma_wait3A_213] : memref<24x128xi32, #tpu.memory_space<vmem>> -> memref<1x128xi32, #tpu.memory_space<vmem>>
    %dma_wait3A_215 = tpu.memref_squeeze %dma_wait3A_214 : memref<1x128xi32, #tpu.memory_space<vmem>> -> memref<128xi32, #tpu.memory_space<vmem>>
    %dma_wait3A_216 = arith.constant 0 : i32
    %dma_wait3A_217 = tpu.memref_slice %arg7[%dma_wait3A_216] : memref<100096xf32, #tpu.memory_space<vmem_shared>> -> memref<100096xf32, #tpu.memory_space<vmem_shared>>
    tpu.wait_indirect_dma semaphore(%arg9 : memref<!tpu.dma_semaphore, #tpu.memory_space<semaphore_mem>>) src(%arg5 : memref<128xf32, #tpu.memory_space<vmem>>) dst(%dma_wait3A_217 : memref<100096xf32, #tpu.memory_space<vmem_shared>>)
    %dma_wait3A_218 = arith.constant 3 : i32
    %dma_wait3A_219 = arith.constant 0 : i32
    %dma_wait3A_220 = tpu.memref_slice %arg4[%dma_wait3A_218, %dma_wait3A_219] : memref<24x128xi32, #tpu.memory_space<vmem>> -> memref<1x128xi32, #tpu.memory_space<vmem>>
    %dma_wait3A_221 = tpu.memref_squeeze %dma_wait3A_220 : memref<1x128xi32, #tpu.memory_space<vmem>> -> memref<128xi32, #tpu.memory_space<vmem>>
    %dma_wait3A_222 = arith.constant 0 : i32
    %dma_wait3A_223 = tpu.memref_slice %arg7[%dma_wait3A_222] : memref<100096xf32, #tpu.memory_space<vmem_shared>> -> memref<100096xf32, #tpu.memory_space<vmem_shared>>
    tpu.wait_indirect_dma semaphore(%arg9 : memref<!tpu.dma_semaphore, #tpu.memory_space<semaphore_mem>>) src(%arg5 : memref<128xf32, #tpu.memory_space<vmem>>) dst(%dma_wait3A_223 : memref<100096xf32, #tpu.memory_space<vmem_shared>>)
    %dma_wait3A_224 = arith.constant 4 : i32
    %dma_wait3A_225 = arith.constant 0 : i32
    %dma_wait3A_226 = tpu.memref_slice %arg4[%dma_wait3A_224, %dma_wait3A_225] : memref<24x128xi32, #tpu.memory_space<vmem>> -> memref<1x128xi32, #tpu.memory_space<vmem>>
    %dma_wait3A_227 = tpu.memref_squeeze %dma_wait3A_226 : memref<1x128xi32, #tpu.memory_space<vmem>> -> memref<128xi32, #tpu.memory_space<vmem>>
    %dma_wait3A_228 = arith.constant 0 : i32
    %dma_wait3A_229 = tpu.memref_slice %arg7[%dma_wait3A_228] : memref<100096xf32, #tpu.memory_space<vmem_shared>> -> memref<100096xf32, #tpu.memory_space<vmem_shared>>
    tpu.wait_indirect_dma semaphore(%arg9 : memref<!tpu.dma_semaphore, #tpu.memory_space<semaphore_mem>>) src(%arg5 : memref<128xf32, #tpu.memory_space<vmem>>) dst(%dma_wait3A_229 : memref<100096xf32, #tpu.memory_space<vmem_shared>>)
    %dma_wait3A_230 = arith.constant 5 : i32
    %dma_wait3A_231 = arith.constant 0 : i32
    %dma_wait3A_232 = tpu.memref_slice %arg4[%dma_wait3A_230, %dma_wait3A_231] : memref<24x128xi32, #tpu.memory_space<vmem>> -> memref<1x128xi32, #tpu.memory_space<vmem>>
    %dma_wait3A_233 = tpu.memref_squeeze %dma_wait3A_232 : memref<1x128xi32, #tpu.memory_space<vmem>> -> memref<128xi32, #tpu.memory_space<vmem>>
    %dma_wait3A_234 = arith.constant 0 : i32
    %dma_wait3A_235 = tpu.memref_slice %arg7[%dma_wait3A_234] : memref<100096xf32, #tpu.memory_space<vmem_shared>> -> memref<100096xf32, #tpu.memory_space<vmem_shared>>
    tpu.wait_indirect_dma semaphore(%arg9 : memref<!tpu.dma_semaphore, #tpu.memory_space<semaphore_mem>>) src(%arg5 : memref<128xf32, #tpu.memory_space<vmem>>) dst(%dma_wait3A_235 : memref<100096xf32, #tpu.memory_space<vmem_shared>>)
    %dma_wait3A_236 = arith.constant 6 : i32
    %dma_wait3A_237 = arith.constant 0 : i32
    %dma_wait3A_238 = tpu.memref_slice %arg4[%dma_wait3A_236, %dma_wait3A_237] : memref<24x128xi32, #tpu.memory_space<vmem>> -> memref<1x128xi32, #tpu.memory_space<vmem>>
    %dma_wait3A_239 = tpu.memref_squeeze %dma_wait3A_238 : memref<1x128xi32, #tpu.memory_space<vmem>> -> memref<128xi32, #tpu.memory_space<vmem>>
    %dma_wait3A_240 = arith.constant 0 : i32
    %dma_wait3A_241 = tpu.memref_slice %arg7[%dma_wait3A_240] : memref<100096xf32, #tpu.memory_space<vmem_shared>> -> memref<100096xf32, #tpu.memory_space<vmem_shared>>
    tpu.wait_indirect_dma semaphore(%arg9 : memref<!tpu.dma_semaphore, #tpu.memory_space<semaphore_mem>>) src(%arg5 : memref<128xf32, #tpu.memory_space<vmem>>) dst(%dma_wait3A_241 : memref<100096xf32, #tpu.memory_space<vmem_shared>>)
    %dma_wait3A_242 = arith.constant 7 : i32
    %dma_wait3A_243 = arith.constant 0 : i32
    %dma_wait3A_244 = tpu.memref_slice %arg4[%dma_wait3A_242, %dma_wait3A_243] : memref<24x128xi32, #tpu.memory_space<vmem>> -> memref<1x128xi32, #tpu.memory_space<vmem>>
    %dma_wait3A_245 = tpu.memref_squeeze %dma_wait3A_244 : memref<1x128xi32, #tpu.memory_space<vmem>> -> memref<128xi32, #tpu.memory_space<vmem>>
    %dma_wait3A_246 = arith.constant 0 : i32
    %dma_wait3A_247 = tpu.memref_slice %arg7[%dma_wait3A_246] : memref<100096xf32, #tpu.memory_space<vmem_shared>> -> memref<100096xf32, #tpu.memory_space<vmem_shared>>
    tpu.wait_indirect_dma semaphore(%arg9 : memref<!tpu.dma_semaphore, #tpu.memory_space<semaphore_mem>>) src(%arg5 : memref<128xf32, #tpu.memory_space<vmem>>) dst(%dma_wait3A_247 : memref<100096xf32, #tpu.memory_space<vmem_shared>>)
    %dma_wait3A_248 = arith.constant 8 : i32
    %dma_wait3A_249 = arith.constant 0 : i32
    %dma_wait3A_250 = tpu.memref_slice %arg4[%dma_wait3A_248, %dma_wait3A_249] : memref<24x128xi32, #tpu.memory_space<vmem>> -> memref<1x128xi32, #tpu.memory_space<vmem>>
    %dma_wait3A_251 = tpu.memref_squeeze %dma_wait3A_250 : memref<1x128xi32, #tpu.memory_space<vmem>> -> memref<128xi32, #tpu.memory_space<vmem>>
    %dma_wait3A_252 = arith.constant 0 : i32
    %dma_wait3A_253 = tpu.memref_slice %arg7[%dma_wait3A_252] : memref<100096xf32, #tpu.memory_space<vmem_shared>> -> memref<100096xf32, #tpu.memory_space<vmem_shared>>
    tpu.wait_indirect_dma semaphore(%arg9 : memref<!tpu.dma_semaphore, #tpu.memory_space<semaphore_mem>>) src(%arg5 : memref<128xf32, #tpu.memory_space<vmem>>) dst(%dma_wait3A_253 : memref<100096xf32, #tpu.memory_space<vmem_shared>>)
    %dma_wait3A_254 = arith.constant 9 : i32
    %dma_wait3A_255 = arith.constant 0 : i32
    %dma_wait3A_256 = tpu.memref_slice %arg4[%dma_wait3A_254, %dma_wait3A_255] : memref<24x128xi32, #tpu.memory_space<vmem>> -> memref<1x128xi32, #tpu.memory_space<vmem>>
    %dma_wait3A_257 = tpu.memref_squeeze %dma_wait3A_256 : memref<1x128xi32, #tpu.memory_space<vmem>> -> memref<128xi32, #tpu.memory_space<vmem>>
    %dma_wait3A_258 = arith.constant 0 : i32
    %dma_wait3A_259 = tpu.memref_slice %arg7[%dma_wait3A_258] : memref<100096xf32, #tpu.memory_space<vmem_shared>> -> memref<100096xf32, #tpu.memory_space<vmem_shared>>
    tpu.wait_indirect_dma semaphore(%arg9 : memref<!tpu.dma_semaphore, #tpu.memory_space<semaphore_mem>>) src(%arg5 : memref<128xf32, #tpu.memory_space<vmem>>) dst(%dma_wait3A_259 : memref<100096xf32, #tpu.memory_space<vmem_shared>>)
    %dma_wait3A_260 = arith.constant 10 : i32
    %dma_wait3A_261 = arith.constant 0 : i32
    %dma_wait3A_262 = tpu.memref_slice %arg4[%dma_wait3A_260, %dma_wait3A_261] : memref<24x128xi32, #tpu.memory_space<vmem>> -> memref<1x128xi32, #tpu.memory_space<vmem>>
    %dma_wait3A_263 = tpu.memref_squeeze %dma_wait3A_262 : memref<1x128xi32, #tpu.memory_space<vmem>> -> memref<128xi32, #tpu.memory_space<vmem>>
    %dma_wait3A_264 = arith.constant 0 : i32
    %dma_wait3A_265 = tpu.memref_slice %arg7[%dma_wait3A_264] : memref<100096xf32, #tpu.memory_space<vmem_shared>> -> memref<100096xf32, #tpu.memory_space<vmem_shared>>
    tpu.wait_indirect_dma semaphore(%arg9 : memref<!tpu.dma_semaphore, #tpu.memory_space<semaphore_mem>>) src(%arg5 : memref<128xf32, #tpu.memory_space<vmem>>) dst(%dma_wait3A_265 : memref<100096xf32, #tpu.memory_space<vmem_shared>>)
    %dma_wait3A_266 = arith.constant 11 : i32
    %dma_wait3A_267 = arith.constant 0 : i32
    %dma_wait3A_268 = tpu.memref_slice %arg4[%dma_wait3A_266, %dma_wait3A_267] : memref<24x128xi32, #tpu.memory_space<vmem>> -> memref<1x128xi32, #tpu.memory_space<vmem>>
    %dma_wait3A_269 = tpu.memref_squeeze %dma_wait3A_268 : memref<1x128xi32, #tpu.memory_space<vmem>> -> memref<128xi32, #tpu.memory_space<vmem>>
    %dma_wait3A_270 = arith.constant 0 : i32
    %dma_wait3A_271 = tpu.memref_slice %arg7[%dma_wait3A_270] : memref<100096xf32, #tpu.memory_space<vmem_shared>> -> memref<100096xf32, #tpu.memory_space<vmem_shared>>
    tpu.wait_indirect_dma semaphore(%arg9 : memref<!tpu.dma_semaphore, #tpu.memory_space<semaphore_mem>>) src(%arg5 : memref<128xf32, #tpu.memory_space<vmem>>) dst(%dma_wait3A_271 : memref<100096xf32, #tpu.memory_space<vmem_shared>>)
    %dma_wait3A_272 = arith.constant 12 : i32
    %dma_wait3A_273 = arith.constant 0 : i32
    %dma_wait3A_274 = tpu.memref_slice %arg4[%dma_wait3A_272, %dma_wait3A_273] : memref<24x128xi32, #tpu.memory_space<vmem>> -> memref<1x128xi32, #tpu.memory_space<vmem>>
    %dma_wait3A_275 = tpu.memref_squeeze %dma_wait3A_274 : memref<1x128xi32, #tpu.memory_space<vmem>> -> memref<128xi32, #tpu.memory_space<vmem>>
    %dma_wait3A_276 = arith.constant 0 : i32
    %dma_wait3A_277 = tpu.memref_slice %arg7[%dma_wait3A_276] : memref<100096xf32, #tpu.memory_space<vmem_shared>> -> memref<100096xf32, #tpu.memory_space<vmem_shared>>
    tpu.wait_indirect_dma semaphore(%arg9 : memref<!tpu.dma_semaphore, #tpu.memory_space<semaphore_mem>>) src(%arg5 : memref<128xf32, #tpu.memory_space<vmem>>) dst(%dma_wait3A_277 : memref<100096xf32, #tpu.memory_space<vmem_shared>>)
    %dma_wait3A_278 = arith.constant 13 : i32
    %dma_wait3A_279 = arith.constant 0 : i32
    %dma_wait3A_280 = tpu.memref_slice %arg4[%dma_wait3A_278, %dma_wait3A_279] : memref<24x128xi32, #tpu.memory_space<vmem>> -> memref<1x128xi32, #tpu.memory_space<vmem>>
    %dma_wait3A_281 = tpu.memref_squeeze %dma_wait3A_280 : memref<1x128xi32, #tpu.memory_space<vmem>> -> memref<128xi32, #tpu.memory_space<vmem>>
    %dma_wait3A_282 = arith.constant 0 : i32
    %dma_wait3A_283 = tpu.memref_slice %arg7[%dma_wait3A_282] : memref<100096xf32, #tpu.memory_space<vmem_shared>> -> memref<100096xf32, #tpu.memory_space<vmem_shared>>
    tpu.wait_indirect_dma semaphore(%arg9 : memref<!tpu.dma_semaphore, #tpu.memory_space<semaphore_mem>>) src(%arg5 : memref<128xf32, #tpu.memory_space<vmem>>) dst(%dma_wait3A_283 : memref<100096xf32, #tpu.memory_space<vmem_shared>>)
    %dma_wait3A_284 = arith.constant 14 : i32
    %dma_wait3A_285 = arith.constant 0 : i32
    %dma_wait3A_286 = tpu.memref_slice %arg4[%dma_wait3A_284, %dma_wait3A_285] : memref<24x128xi32, #tpu.memory_space<vmem>> -> memref<1x128xi32, #tpu.memory_space<vmem>>
    %dma_wait3A_287 = tpu.memref_squeeze %dma_wait3A_286 : memref<1x128xi32, #tpu.memory_space<vmem>> -> memref<128xi32, #tpu.memory_space<vmem>>
    %dma_wait3A_288 = arith.constant 0 : i32
    %dma_wait3A_289 = tpu.memref_slice %arg7[%dma_wait3A_288] : memref<100096xf32, #tpu.memory_space<vmem_shared>> -> memref<100096xf32, #tpu.memory_space<vmem_shared>>
    tpu.wait_indirect_dma semaphore(%arg9 : memref<!tpu.dma_semaphore, #tpu.memory_space<semaphore_mem>>) src(%arg5 : memref<128xf32, #tpu.memory_space<vmem>>) dst(%dma_wait3A_289 : memref<100096xf32, #tpu.memory_space<vmem_shared>>)
    %dma_wait3A_290 = arith.constant 15 : i32
    %dma_wait3A_291 = arith.constant 0 : i32
    %dma_wait3A_292 = tpu.memref_slice %arg4[%dma_wait3A_290, %dma_wait3A_291] : memref<24x128xi32, #tpu.memory_space<vmem>> -> memref<1x128xi32, #tpu.memory_space<vmem>>
    %dma_wait3A_293 = tpu.memref_squeeze %dma_wait3A_292 : memref<1x128xi32, #tpu.memory_space<vmem>> -> memref<128xi32, #tpu.memory_space<vmem>>
    %dma_wait3A_294 = arith.constant 0 : i32
    %dma_wait3A_295 = tpu.memref_slice %arg7[%dma_wait3A_294] : memref<100096xf32, #tpu.memory_space<vmem_shared>> -> memref<100096xf32, #tpu.memory_space<vmem_shared>>
    tpu.wait_indirect_dma semaphore(%arg9 : memref<!tpu.dma_semaphore, #tpu.memory_space<semaphore_mem>>) src(%arg5 : memref<128xf32, #tpu.memory_space<vmem>>) dst(%dma_wait3A_295 : memref<100096xf32, #tpu.memory_space<vmem_shared>>)
    %dma_wait3A_296 = arith.constant 16 : i32
    %dma_wait3A_297 = arith.constant 0 : i32
    %dma_wait3A_298 = tpu.memref_slice %arg4[%dma_wait3A_296, %dma_wait3A_297] : memref<24x128xi32, #tpu.memory_space<vmem>> -> memref<1x128xi32, #tpu.memory_space<vmem>>
    %dma_wait3A_299 = tpu.memref_squeeze %dma_wait3A_298 : memref<1x128xi32, #tpu.memory_space<vmem>> -> memref<128xi32, #tpu.memory_space<vmem>>
    %dma_wait3A_300 = arith.constant 0 : i32
    %dma_wait3A_301 = tpu.memref_slice %arg7[%dma_wait3A_300] : memref<100096xf32, #tpu.memory_space<vmem_shared>> -> memref<100096xf32, #tpu.memory_space<vmem_shared>>
    tpu.wait_indirect_dma semaphore(%arg9 : memref<!tpu.dma_semaphore, #tpu.memory_space<semaphore_mem>>) src(%arg5 : memref<128xf32, #tpu.memory_space<vmem>>) dst(%dma_wait3A_301 : memref<100096xf32, #tpu.memory_space<vmem_shared>>)
    %dma_wait3A_302 = arith.constant 17 : i32
    %dma_wait3A_303 = arith.constant 0 : i32
    %dma_wait3A_304 = tpu.memref_slice %arg4[%dma_wait3A_302, %dma_wait3A_303] : memref<24x128xi32, #tpu.memory_space<vmem>> -> memref<1x128xi32, #tpu.memory_space<vmem>>
    %dma_wait3A_305 = tpu.memref_squeeze %dma_wait3A_304 : memref<1x128xi32, #tpu.memory_space<vmem>> -> memref<128xi32, #tpu.memory_space<vmem>>
    %dma_wait3A_306 = arith.constant 0 : i32
    %dma_wait3A_307 = tpu.memref_slice %arg7[%dma_wait3A_306] : memref<100096xf32, #tpu.memory_space<vmem_shared>> -> memref<100096xf32, #tpu.memory_space<vmem_shared>>
    tpu.wait_indirect_dma semaphore(%arg9 : memref<!tpu.dma_semaphore, #tpu.memory_space<semaphore_mem>>) src(%arg5 : memref<128xf32, #tpu.memory_space<vmem>>) dst(%dma_wait3A_307 : memref<100096xf32, #tpu.memory_space<vmem_shared>>)
    %dma_wait3A_308 = arith.constant 18 : i32
    %dma_wait3A_309 = arith.constant 0 : i32
    %dma_wait3A_310 = tpu.memref_slice %arg4[%dma_wait3A_308, %dma_wait3A_309] : memref<24x128xi32, #tpu.memory_space<vmem>> -> memref<1x128xi32, #tpu.memory_space<vmem>>
    %dma_wait3A_311 = tpu.memref_squeeze %dma_wait3A_310 : memref<1x128xi32, #tpu.memory_space<vmem>> -> memref<128xi32, #tpu.memory_space<vmem>>
    %dma_wait3A_312 = arith.constant 0 : i32
    %dma_wait3A_313 = tpu.memref_slice %arg7[%dma_wait3A_312] : memref<100096xf32, #tpu.memory_space<vmem_shared>> -> memref<100096xf32, #tpu.memory_space<vmem_shared>>
    tpu.wait_indirect_dma semaphore(%arg9 : memref<!tpu.dma_semaphore, #tpu.memory_space<semaphore_mem>>) src(%arg5 : memref<128xf32, #tpu.memory_space<vmem>>) dst(%dma_wait3A_313 : memref<100096xf32, #tpu.memory_space<vmem_shared>>)
    %dma_wait3A_314 = arith.constant 19 : i32
    %dma_wait3A_315 = arith.constant 0 : i32
    %dma_wait3A_316 = tpu.memref_slice %arg4[%dma_wait3A_314, %dma_wait3A_315] : memref<24x128xi32, #tpu.memory_space<vmem>> -> memref<1x128xi32, #tpu.memory_space<vmem>>
    %dma_wait3A_317 = tpu.memref_squeeze %dma_wait3A_316 : memref<1x128xi32, #tpu.memory_space<vmem>> -> memref<128xi32, #tpu.memory_space<vmem>>
    %dma_wait3A_318 = arith.constant 0 : i32
    %dma_wait3A_319 = tpu.memref_slice %arg7[%dma_wait3A_318] : memref<100096xf32, #tpu.memory_space<vmem_shared>> -> memref<100096xf32, #tpu.memory_space<vmem_shared>>
    tpu.wait_indirect_dma semaphore(%arg9 : memref<!tpu.dma_semaphore, #tpu.memory_space<semaphore_mem>>) src(%arg5 : memref<128xf32, #tpu.memory_space<vmem>>) dst(%dma_wait3A_319 : memref<100096xf32, #tpu.memory_space<vmem_shared>>)
    %dma_wait3A_320 = arith.constant 20 : i32
    %dma_wait3A_321 = arith.constant 0 : i32
    %dma_wait3A_322 = tpu.memref_slice %arg4[%dma_wait3A_320, %dma_wait3A_321] : memref<24x128xi32, #tpu.memory_space<vmem>> -> memref<1x128xi32, #tpu.memory_space<vmem>>
    %dma_wait3A_323 = tpu.memref_squeeze %dma_wait3A_322 : memref<1x128xi32, #tpu.memory_space<vmem>> -> memref<128xi32, #tpu.memory_space<vmem>>
    %dma_wait3A_324 = arith.constant 0 : i32
    %dma_wait3A_325 = tpu.memref_slice %arg7[%dma_wait3A_324] : memref<100096xf32, #tpu.memory_space<vmem_shared>> -> memref<100096xf32, #tpu.memory_space<vmem_shared>>
    tpu.wait_indirect_dma semaphore(%arg9 : memref<!tpu.dma_semaphore, #tpu.memory_space<semaphore_mem>>) src(%arg5 : memref<128xf32, #tpu.memory_space<vmem>>) dst(%dma_wait3A_325 : memref<100096xf32, #tpu.memory_space<vmem_shared>>)
    %dma_wait3A_326 = arith.constant 21 : i32
    %dma_wait3A_327 = arith.constant 0 : i32
    %dma_wait3A_328 = tpu.memref_slice %arg4[%dma_wait3A_326, %dma_wait3A_327] : memref<24x128xi32, #tpu.memory_space<vmem>> -> memref<1x128xi32, #tpu.memory_space<vmem>>
    %dma_wait3A_329 = tpu.memref_squeeze %dma_wait3A_328 : memref<1x128xi32, #tpu.memory_space<vmem>> -> memref<128xi32, #tpu.memory_space<vmem>>
    %dma_wait3A_330 = arith.constant 0 : i32
    %dma_wait3A_331 = tpu.memref_slice %arg7[%dma_wait3A_330] : memref<100096xf32, #tpu.memory_space<vmem_shared>> -> memref<100096xf32, #tpu.memory_space<vmem_shared>>
    tpu.wait_indirect_dma semaphore(%arg9 : memref<!tpu.dma_semaphore, #tpu.memory_space<semaphore_mem>>) src(%arg5 : memref<128xf32, #tpu.memory_space<vmem>>) dst(%dma_wait3A_331 : memref<100096xf32, #tpu.memory_space<vmem_shared>>)
    %dma_wait3A_332 = arith.constant 22 : i32
    %dma_wait3A_333 = arith.constant 0 : i32
    %dma_wait3A_334 = tpu.memref_slice %arg4[%dma_wait3A_332, %dma_wait3A_333] : memref<24x128xi32, #tpu.memory_space<vmem>> -> memref<1x128xi32, #tpu.memory_space<vmem>>
    %dma_wait3A_335 = tpu.memref_squeeze %dma_wait3A_334 : memref<1x128xi32, #tpu.memory_space<vmem>> -> memref<128xi32, #tpu.memory_space<vmem>>
    %dma_wait3A_336 = arith.constant 0 : i32
    %dma_wait3A_337 = tpu.memref_slice %arg7[%dma_wait3A_336] : memref<100096xf32, #tpu.memory_space<vmem_shared>> -> memref<100096xf32, #tpu.memory_space<vmem_shared>>
    tpu.wait_indirect_dma semaphore(%arg9 : memref<!tpu.dma_semaphore, #tpu.memory_space<semaphore_mem>>) src(%arg5 : memref<128xf32, #tpu.memory_space<vmem>>) dst(%dma_wait3A_337 : memref<100096xf32, #tpu.memory_space<vmem_shared>>)
    %dma_wait3A_338 = arith.constant 23 : i32
    %dma_wait3A_339 = arith.constant 0 : i32
    %dma_wait3A_340 = tpu.memref_slice %arg4[%dma_wait3A_338, %dma_wait3A_339] : memref<24x128xi32, #tpu.memory_space<vmem>> -> memref<1x128xi32, #tpu.memory_space<vmem>>
    %dma_wait3A_341 = tpu.memref_squeeze %dma_wait3A_340 : memref<1x128xi32, #tpu.memory_space<vmem>> -> memref<128xi32, #tpu.memory_space<vmem>>
    %dma_wait3A_342 = arith.constant 0 : i32
    %dma_wait3A_343 = tpu.memref_slice %arg7[%dma_wait3A_342] : memref<100096xf32, #tpu.memory_space<vmem_shared>> -> memref<100096xf32, #tpu.memory_space<vmem_shared>>
    tpu.wait_indirect_dma semaphore(%arg9 : memref<!tpu.dma_semaphore, #tpu.memory_space<semaphore_mem>>) src(%arg5 : memref<128xf32, #tpu.memory_space<vmem>>) dst(%dma_wait3A_343 : memref<100096xf32, #tpu.memory_space<vmem_shared>>)
    %barrier3A_344 = arith.constant 0 : index
    tpu.barrier barrier_id(%barrier3A_344)
    %eq3A = arith.constant 0 : i32
    %eq3A_345 = arith.cmpi eq, %arg1, %eq3A : i32
    %convert_element_type3A = arith.extui %eq3A_345 : i1 to i32
    %cond3A = arith.constant 0 : i32
    %cond3A_346 = arith.cmpi ne, %convert_element_type3A, %cond3A : i32
    scf.if %cond3A_346 {
      "tpu.region"() ({
        %run_scoped3A = tpu.sem_alloc : memref<!tpu.dma_semaphore, #tpu.memory_space<semaphore_mem>>
        %dma_start3A_347 = arith.constant 0 : i32
        %dma_start3A_348 = tpu.memref_slice %arg3[%arg0, %dma_start3A_347] : memref<2x100096xf32, #tpu.memory_space<hbm>> -> memref<1x100096xf32, #tpu.memory_space<hbm>>
        %dma_start3A_349 = tpu.memref_squeeze %dma_start3A_348 : memref<1x100096xf32, #tpu.memory_space<hbm>> -> memref<100096xf32, #tpu.memory_space<hbm>>
        tpu.enqueue_dma source(%arg7 : memref<100096xf32, #tpu.memory_space<vmem_shared>>) target(%dma_start3A_349 : memref<100096xf32, #tpu.memory_space<hbm>>) target_semaphore(%run_scoped3A : memref<!tpu.dma_semaphore, #tpu.memory_space<semaphore_mem>>)
        %dma_wait3A_350 = arith.constant 0 : i32
        %dma_wait3A_351 = tpu.memref_slice %arg3[%arg0, %dma_wait3A_350] : memref<2x100096xf32, #tpu.memory_space<hbm>> -> memref<1x100096xf32, #tpu.memory_space<hbm>>
        %dma_wait3A_352 = tpu.memref_squeeze %dma_wait3A_351 : memref<1x100096xf32, #tpu.memory_space<hbm>> -> memref<100096xf32, #tpu.memory_space<hbm>>
        tpu.wait_dma2 semaphore(%run_scoped3A : memref<!tpu.dma_semaphore, #tpu.memory_space<semaphore_mem>>) src(%arg7 : memref<100096xf32, #tpu.memory_space<vmem_shared>>) dst(%dma_wait3A_352 : memref<100096xf32, #tpu.memory_space<hbm>>)
        tpu.yield
      }) : () -> ()
    } else {
    }
    return
  }
}

module attributes {stable_mosaic.version = 14 : i64} {
  func.func @_mv_body(%arg0: i32, %arg1: memref<2x25x4000xf32, #tpu.memory_space<vmem>>, %arg2: memref<4000x512xf32, #tpu.memory_space<vmem>>, %arg3: memref<1x512xf32, #tpu.memory_space<vmem>>) attributes {dimension_semantics = [#tpu.dimension_semantics<arbitrary>], iteration_bounds = array<i64: 25>, scalar_prefetch = 0 : i64, scratch_operands = 0 : i64, tpu.core_type = #tpu.core_type<tc>, window_params = [{pipeline_mode = #tpu.pipeline_mode<synchronous>, transform_indices = @transform_0, window_bounds = array<i64: 2, 25, 4000>}, {transform_indices = @transform_1, window_bounds = array<i64: 4000, 512>}, {pipeline_mode = #tpu.pipeline_mode<synchronous>, transform_indices = @transform_2, window_bounds = array<i64: 1, 512>}]} {
    %eq3A = arith.constant 0 : i32
    %eq3A_0 = arith.cmpi eq, %arg0, %eq3A : i32
    %convert_element_type3A = arith.extui %eq3A_0 : i1 to i32
    %cond3A = arith.constant 0 : i32
    %cond3A_1 = arith.cmpi ne, %convert_element_type3A, %cond3A : i32
    scf.if %cond3A_1 {
      %broadcast_in_dim3A = arith.constant 0.000000e+00 : f32
      %broadcast_in_dim3A_26 = vector.broadcast %broadcast_in_dim3A : f32 to vector<1x512xf32>
      %swap3A_27 = arith.constant 0 : index
      %swap3A_28 = arith.constant 0 : index
      %swap3A_29 = vector.load %arg3[%swap3A_27, %swap3A_28] : memref<1x512xf32, #tpu.memory_space<vmem>>, vector<1x512xf32>
      tpu.vector_store %arg3[%swap3A_27, %swap3A_28], %broadcast_in_dim3A_26 {strides = array<i32>} : memref<1x512xf32, #tpu.memory_space<vmem>>, vector<1x512xf32>,
    } else {
    }
    %get3A = arith.constant 0 : index
    %get3A_2 = arith.index_cast %arg0 : i32 to index
    %get3A_3 = arith.constant 0 : index
    %get3A_4 = vector.load %arg1[%get3A, %get3A_2, %get3A_3] : memref<2x25x4000xf32, #tpu.memory_space<vmem>>, vector<1x1x4000xf32>
    %get3A_5 = vector.shape_cast %get3A_4 : vector<1x1x4000xf32> to vector<1x4000xf32>
    %get3A_6 = arith.constant 1 : index
    %get3A_7 = arith.index_cast %arg0 : i32 to index
    %get3A_8 = arith.constant 0 : index
    %get3A_9 = vector.load %arg1[%get3A_6, %get3A_7, %get3A_8] : memref<2x25x4000xf32, #tpu.memory_space<vmem>>, vector<1x1x4000xf32>
    %get3A_10 = vector.shape_cast %get3A_9 : vector<1x1x4000xf32> to vector<1x4000xf32>
    %add3A = arith.addf %get3A_5, %get3A_10 : vector<1x4000xf32>
    %get3A_11 = arith.constant 0 : index
    %get3A_12 = arith.constant 0 : index
    %get3A_13 = vector.load %arg3[%get3A_11, %get3A_12] : memref<1x512xf32, #tpu.memory_space<vmem>>, vector<1x512xf32>
    %get3A_14 = arith.constant 0 : index
    %get3A_15 = arith.constant 0 : index
    %get3A_16 = vector.load %arg2[%get3A_14, %get3A_15] : memref<4000x512xf32, #tpu.memory_space<vmem>>, vector<4000x512xf32>
    %dot_general3A = arith.constant dense<0.000000e+00> : vector<1x512xf32>
    %dot_general3A_17 = tpu.matmul %add3A, %get3A_16, %dot_general3A {dimension_numbers = #tpu.dot_dimension_numbers<[1], [0], [0], [1], [0, 0, 1, 1], [], []>, transpose_lhs_hint = false} : vector<1x4000xf32>, vector<4000x512xf32>, vector<1x512xf32> -> vector<1x512xf32>
    %add3A_18 = arith.addf %get3A_13, %dot_general3A_17 : vector<1x512xf32>
    %swap3A = arith.constant 0 : index
    %swap3A_19 = arith.constant 0 : index
    %swap3A_20 = vector.load %arg3[%swap3A, %swap3A_19] : memref<1x512xf32, #tpu.memory_space<vmem>>, vector<1x512xf32>
    tpu.vector_store %arg3[%swap3A, %swap3A_19], %add3A_18 {strides = array<i32>} : memref<1x512xf32, #tpu.memory_space<vmem>>, vector<1x512xf32>,
    %eq3A_21 = arith.constant 24 : i32
    %eq3A_22 = arith.cmpi eq, %arg0, %eq3A_21 : i32
    %convert_element_type3A_23 = arith.extui %eq3A_22 : i1 to i32
    %cond3A_24 = arith.constant 0 : i32
    %cond3A_25 = arith.cmpi ne, %convert_element_type3A_23, %cond3A_24 : i32
    scf.if %cond3A_25 {
      %get3A_26 = arith.constant 0 : index
      %get3A_27 = arith.constant 0 : index
      %get3A_28 = vector.load %arg3[%get3A_26, %get3A_27] : memref<1x512xf32, #tpu.memory_space<vmem>>, vector<1x512xf32>
      %mul3A = arith.constant 1.01725263E-5 : f32
      %mul3A_29 = vector.broadcast %mul3A : f32 to vector<1x512xf32>
      %mul3A_30 = arith.mulf %get3A_28, %mul3A_29 : vector<1x512xf32>
      %swap3A_31 = arith.constant 0 : index
      %swap3A_32 = arith.constant 0 : index
      %swap3A_33 = vector.load %arg3[%swap3A_31, %swap3A_32] : memref<1x512xf32, #tpu.memory_space<vmem>>, vector<1x512xf32>
      tpu.vector_store %arg3[%swap3A_31, %swap3A_32], %mul3A_30 {strides = array<i32>} : memref<1x512xf32, #tpu.memory_space<vmem>>, vector<1x512xf32>,
    } else {
    }
    return
  }
  func.func @transform_0(%arg0: i32) -> (i32, i32, i32) {
    %c0_i32 = arith.constant 0 : i32
    %c0_i32_0 = arith.constant 0 : i32
    %c0_i32_1 = arith.constant 0 : i32
    %c0_i32_2 = arith.constant 0 : i32
    return %c0_i32, %c0_i32_0, %c0_i32_1 : i32, i32, i32
  }
  func.func @transform_1(%arg0: i32) -> (i32, i32) {
    %c0_i32 = arith.constant 0 : i32
    %c0_i32_0 = arith.constant 0 : i32
    return %arg0, %c0_i32 : i32, i32
  }
  func.func @transform_2(%arg0: i32) -> (i32, i32) {
    %c0_i32 = arith.constant 0 : i32
    %c0_i32_0 = arith.constant 0 : i32
    %c0_i32_1 = arith.constant 0 : i32
    return %c0_i32, %c0_i32_0 : i32, i32
  }
}

</mosaic_0001>

<sc_bundles>
// kernel: kernel.4.cloned.1.call-start
scs
__scs_entry_jumppad:
0x0: {  	(pc) =	sbr.rel $0x88, $3  }
0x1: {  	(tag) =	ssettag $0x0;
	lr =	simm.s32 $0x1  }
0x2: {  	[smem:$0x3F9F] =	sst lr;
	_ =	strace $0xD0000000  }
0x3: {  	_ = 	snop  }
0x4: {  	_ = 	snop  }
0x5: {  	_ = 	snop  }
0x6: {  	_ = 	snop  }
0x7: {  	_ = 	snop  }
__scs_overlays_trampoline_lowered:
0x8: {  	[smem:$0x3FAE] =	sst s0  }
0x9: {  	[smem:$0x3FAF] =	sst s1  }
0xa: {  	[smem:$0x3FB0] =	sst s2  }
0xb: {  	[smem:$0x3FB1] =	sst s3  }
0xc: {  	[smem:$0x3FB2] =	sst s4  }
0xd: {  	[smem:$0x3FB3] =	sst s5  }
0xe: {  	[smem:$0x3FB4] =	sst s6  }
0xf: {  	[smem:$0x3FB5] =	sst s7  }
0x10: {  	[smem:$0x3FB6] =	sst s8  }
0x11: {  	[smem:$0x3FB7] =	sst s9;
	s0 =	simm.s32 @!p0 $0x0  }
0x12: {  	s1 =	sld [smem:$0x3F9D];
	s0 =	simm.s32 @p0 $0x1  }
0x13: {  	[smem:$0x3FB8] =	sst s0;
	s0 =	simm.s32 @!p1 $0x0  }
0x14: {  	s2 =	sld [smem:$0x3F9C];
	s0 =	simm.s32 @p1 $0x1  }
0x15: {  	[smem:$0x3FB9] =	sst s0;
	s0 =	simm.s32 @!p2 $0x0  }
0x16: {  	s3 =	sld [smem:$0x3FDB];
	s0 =	simm.s32 @p2 $0x1  }
0x17: {  	s4 =	simm.s32 $0x1BF5;
	[smem:$0x3FBB] =	sst s0  }
0x18: {  	s0 =	sld [smem:$0x3F9E];
	_ =	swait.ge [sflag:s4], $0x0  }
0x19: {  	s7 =	sld [smem:$0x3F9F]  }
0x1a: {  	s8 =	sadd.s32 $0xFFFFE003, lr  }
0x1b: {  	s9 =	sadd.s32 $0xFFFFFEF7, lr;
	s5 =	simm.s32 $0xFFFFFFFF;
	p2 =	slt.u32 s8, $0xFFFFF086  }
0x1c: {  	p1 =	slt.u32 s9, $0xF7A;
	s5 =	simm.s32 @!p2 $0x0  }
0x1d: {  	s5 =	simm.s32 @p1 $0x1;
	p0 =	seq.s32 s7, s2  }
0x1e: {  	s7 =	smul.u32 @!p0 $0xF7A, s2;
	p2 =	seq.s32 @!p0 s5, $0x0  }
0x1f: {  	s9 =	smul.u32 $0xF7A, s1;
	s8 =	simm.s32 @!p0 $0x1BF5;
	p2 =	por !p2, p0  }
0x20: {  	[sflag:s8] =	ssyncset.s32 @!p0 $0xFFFFF086;
	s6 =	sadd.s32 @!p0 s3, s7;
	s7 =	simm.s32 @!p0 $0x108  }
0x21: {  	s3 =	sadd.s32 s3, s9;
	s6 =	sadd.s32 @!p0 $0x88, s6;
	s7 =	simm.s32 @p2 $0x1082  }
0x22: {  	[simem:s7], [sflag:s8] =	dma.local @!p0 [hbm:s6], $0xF7A  }
0x23: {  	s9 =	sor.u32 $0xD0000000, s2;
	s6 =	simm.s32 $0x108;
	_ =	swait.ge @!p0 [sflag:s8], $0x0  }
0x24: {  	s3 =	sadd.s32 $0x88, s3;
	s6 =	simm.s32 @!p1 $0x1082;
	[sflag:s4] =	ssyncset.s32 $0xFFFFF086  }
0x25: {  	[simem:s6], [sflag:s4] =	dma.local [hbm:s3], $0xF7A  }
0x26: {  	[smem:$0x3F9F] =	sst s1;
	(tag) =	ssettag s2;
	_ =	strace s9  }
0x27: {  	s1 =	sld [smem:$0x3FAF]  }
0x28: {  	s2 =	sld [smem:$0x3FB0]  }
0x29: {  	s4 =	sld [smem:$0x3FB2]  }
0x2a: {  	p0 =	seq.s32 s5, $0x0;
	s5 =	sld [smem:$0x3FB3]  }
0x2b: {  	s6 =	sld [smem:$0x3FB4]  }
0x2c: {  	s7 =	sld [smem:$0x3FB5]  }
0x2d: {  	s3 =	simm.s32 $0x108;
	s8 =	sld [smem:$0x3FB6]  }
0x2e: {  	s3 =	simm.s32 @!p0 $0x1082;
	s9 =	sld [smem:$0x3FB7]  }
0x2f: {  	lr =	sadd.s32 s0, s3;
	s0 =	sld [smem:$0x3FAE]  }
0x30: {  	s3 =	sld [smem:$0x3FB1]  }
0x31: {  	[smem:$0x3FBA] =	sst s10  }
0x32: {  	s10 =	sld [smem:$0x3FB8];
	_ =	sdelay $0x3  }
0x33: {  	p0 =	seq.s32 s10, $0x1;
	s10 =	sld [smem:$0x3FBA];
	_ =	sdelay $0x3  }
0x34: {  	[smem:$0x3FBA] =	sst s10  }
0x35: {  	s10 =	sld [smem:$0x3FB9];
	_ =	sdelay $0x3  }
0x36: {  	p1 =	seq.s32 s10, $0x1;
	s10 =	sld [smem:$0x3FBA];
	_ =	sdelay $0x3  }
0x37: {  	[smem:$0x3FBA] =	sst s10  }
0x38: {  	s10 =	sld [smem:$0x3FBB]  }
0x39: {  	_ = 	snop;
	(pc) =	sbr.ind lr, $3  }
0x3a: {  	_ = 	snop  }
0x3b: {  	_ = 	snop  }
0x3c: {  	p2 =	seq.s32 s10, $0x1;
	s10 =	sld [smem:$0x3FBA]  }
0x3d: {  	_ =	shalt  }
0x3e: {  	_ =	shalt  }
0x3f: {  	_ =	shalt  }
0x40: {  	_ =	shalt  }
0x41: {  	_ =	shalt  }
0x42: {  	_ =	shalt  }
0x43: {  	_ =	shalt  }
0x44: {  	_ =	shalt  }
0x45: {  	_ =	shalt  }
0x46: {  	_ =	shalt  }
0x47: {  	_ =	shalt  }
0x48: {  	_ =	shalt  }
0x49: {  	_ =	shalt  }
0x4a: {  	_ =	shalt  }
0x4b: {  	_ =	shalt  }
0x4c: {  	_ =	shalt  }
0x4d: {  	_ =	shalt  }
0x4e: {  	_ =	shalt  }
0x4f: {  	_ =	shalt  }
0x50: {  	_ =	shalt  }
0x51: {  	_ =	shalt  }
0x52: {  	_ =	shalt  }
0x53: {  	_ =	shalt  }
0x54: {  	_ =	shalt  }
0x55: {  	_ =	shalt  }
0x56: {  	_ =	shalt  }
0x57: {  	_ =	shalt  }
0x58: {  	_ =	shalt  }
0x59: {  	_ =	shalt  }
0x5a: {  	_ =	shalt  }
0x5b: {  	_ =	shalt  }
0x5c: {  	_ =	shalt  }
0x5d: {  	_ =	shalt  }
0x5e: {  	_ =	shalt  }
0x5f: {  	_ =	shalt  }
0x60: {  	_ =	shalt  }
0x61: {  	_ =	shalt  }
0x62: {  	_ =	shalt  }
0x63: {  	_ =	shalt  }
0x64: {  	_ =	shalt  }
0x65: {  	_ =	shalt  }
0x66: {  	_ =	shalt  }
0x67: {  	_ =	shalt  }
0x68: {  	_ =	shalt  }
0x69: {  	_ =	shalt  }
0x6a: {  	_ =	shalt  }
0x6b: {  	_ =	shalt  }
0x6c: {  	_ =	shalt  }
0x6d: {  	_ =	shalt  }
0x6e: {  	_ =	shalt  }
0x6f: {  	_ =	shalt  }
0x70: {  	_ =	shalt  }
0x71: {  	_ =	shalt  }
0x72: {  	_ =	shalt  }
0x73: {  	_ =	shalt  }
0x74: {  	_ =	shalt  }
0x75: {  	_ =	shalt  }
0x76: {  	_ =	shalt  }
0x77: {  	_ =	shalt  }
0x78: {  	_ =	shalt  }
0x79: {  	_ =	shalt  }
0x7a: {  	_ =	shalt  }
0x7b: {  	_ =	shalt  }
0x7c: {  	_ =	shalt  }
0x7d: {  	_ =	shalt  }
0x7e: {  	_ =	shalt  }
0x7f: {  	_ =	shalt  }
0x80: {  	_ =	shalt  }
0x81: {  	_ =	shalt  }
0x82: {  	_ =	shalt  }
0x83: {  	_ =	shalt  }
0x84: {  	_ =	shalt  }
0x85: {  	_ =	shalt  }
0x86: {  	_ =	shalt  }
0x87: {  	_ =	shalt  }
.Lfunc_end0:
.L_simem_size_0:
called_computation_lowered:
.L_overlay_start_0:
0x88: {  	s2 =	sld [smem:$0x3FD9]  }
0x89: {  	s3 =	sld [smem:$0x3FFE];
	_ =	sdelay $0x1  }
0x8a: {  	s1 =	srdreg.scid  }
0x8b: {  	s0 =	sand.u32 $0x1, s1  }
0x8c: {  	s16 =	sshll.u32 s0, $0xA;
	s2 =	sadd.s32 s3, s2  }
0x8d: {  	s2 =	sadd.s32 s2, s16  }
0x8e: {  	[smem:$0x3FC6] =	sst s2  }
0x8f: {  	_ = 	snop  }
0x90: {  	(tm) =	ssettm $0x1  }
0x91: {  	s17 =	sld [smem:$0x3FFB];
	_ =	sdelay $0x3  }
0x92: {  	_ =	strace s17  }
0x93: {  	s2 =	sld [smem:$0x3FFC];
	_ =	sdelay $0x3  }
0x94: {  	_ =	strace s2  }
0x95: {  	s2 =	sld [smem:$0x3FFD];
	_ =	sdelay $0x3  }
0x96: {  	_ =	strace s2  }
0x97: {  	_ =	strace $0x8FFFFFFF  }
0x98: {  	s18 =	sld [smem:$0x3FDB];
	_ =	sdelay $0x1  }
0x99: {  	s19 =	simm.s32 $_scs_section_size  }
0x9a: {  	s4 =	simm.s32 $_size__tile_overlayer_lowered;
	s5 =	simm.s32 $_tile_overlayer_lowered  }
0x9b: {  	s22 =	simm.s32 $0x1BFF;
	s21 =	sshll.u32 s5, $0x1;
	s2 =	sadd.s32 s19, s18  }
0x9c: {  	s6 =	simm.s32 $0x0;
	s20 =	sshll.u32 s4, $0x1;
	s4 =	sadd.s32 s21, s2  }
0x9d: {  	[timem:s6], [sflag:s22] =	dma.local [hbm:s4], s20  }
0x9e: {  	_ =	swait.ge [sflag:s22], s20  }
0x9f: {  	s3 =	ssub.s32 $0x0, s20;
	[sflag:s22] =	ssyncset.done $0x0  }
0xa0: {  	[sflag:s22] =	ssyncadd.s32 s3;
	_ =	sdelay $0x1  }
0xa1: {  	s23 =	simm.s32 $0x1B8B  }
0xa2: {  	_ =	swait.ge [sflag:s23], $0x1  }
0xa3: {  	[sflag:s23] =	ssyncset.done $0x0  }
0xa4: {  	s25 =	simm.s32 $0x1B8E;
	s24 =	sld [smem:$0x3FFE];
	[sflag:s23] =	ssyncadd.s32 $0xFFFFFFFF  }
0xa5: {  	s26 =	simm.s32 $execute0_lowered;
	[smem:$0x3FD2] =	sst s25  }
0xa6: {  	s4 =	sshll.u32 s26, $0x1;
	_ =	strace $0x80000046;
	[dreg:$0x1] =	wrdreg $0xFFFFFFFF  }
0xa7: {  	s28 =	simm.s32 $_size_execute0_lowered;
	s2 =	sadd.s32 s2, s4;
	[dreg:$0x0] =	wrdreg $0x0  }
0xa8: {  	s4 =	sshll.u32 s28, $0x1;
	[dreg:$0x2] =	wrdreg s2  }
0xa9: {  	[dreg:$0x3] =	wrdreg s4  }
0xaa: {  	[dreg:$0x4] =	wrdreg $0xC0  }
0xab: {  	_ =	task [dreg:s6], $0x5FFFF  }
0xac: {  	[dreg:$0x1] =	wrdreg $0xFFFFFFFF  }
0xad: {  	[dreg:$0x0] =	wrdreg $0x60  }
0xae: {  	[dreg:$0x2] =	wrdreg s24  }
0xaf: {  	[dreg:$0x3] =	wrdreg $0x25000  }
0xb0: {  	[dreg:$0x4] =	wrdreg $0x9  }
0xb1: {  	_ =	task.clear_ibuf [dreg:s6], $0x5FFFF;
	_ =	strace $0x90000046  }
0xb2: {  	s29 =	simm.s32 $0x9;
	_ =	strace $0x80000048  }
0xb3: {  	_ =	swait.ge [sflag:s29], $0x1  }
0xb4: {  	[sflag:s29] =	ssyncadd.s32 $0xFFFFFFFF  }
0xb5: {  	_ =	strace $0x90000048  }
0xb6: {  	_ =	sfence  }
0xb7: {  	s30 =	sld [smem:$0x0];
	_ =	sdelay $0x2  }
0xb8: {  	s31 =	sshll.u32 s1, $0xD;
	s1 =	sshrl.u32 s1, $0x2  }
0xb9: {  	s3 =	sand.u32 $0x4000, s31;
	s1 =	sadd.s32 s1, s30  }
0xba: {  	s0 =	sor.u32 s3, s0;
	s1 =	sshll.u32 s1, $0x11  }
0xbb: {  	s0 =	sor.u32 s1, s0  }
0xbc: {  	s0 =	sadd.s32 $0x8F2B, s0  }
0xbd: {  	[sflag:s0] =	ssyncadd.remote.s32 $0x1  }
0xbe: {  	_ =	sfence.sel $0xFFFF  }
0xbf: {  	[dreg:$0x0] =	wrdreg $0xFFFFFFFF;
	(pc) =	sbr.abs _section_cstart, $3  }
0xc0: {  	[dreg:$0x1] =	wrdreg $0xFFFFFFFF  }
0xc1: {  	_ =	task.clear_ibuf [dreg:s6], $0x2FFFF;
	_ =	strace $0x9FFFFFFF  }
0xc2: {  	(tm) =	ssettm $0x7FFFFFFF  }
0xc3: {  	_ =	shalt  }
tec
execute0_lowered:
.L_overlay_start_1:
0x0: {  	(tag) =	ssettag $0x1  }
0x1: {  	s0 =	srdreg.scid;
	s3 =	rddreg [dreg:$0x0]  }
0x2: {  	s1 =	rddreg [dreg:$0x1];
	s7 =	stileid.u32  }
0x3: {  	s2 =	simm.s32 $0x0;
	s9 =	simm.s32 $0x1;
	s10 =	simm.s32 $0x80  }
0x4: {  	s11 =	simm.s32 $0xC00;
	s20 =	simm.s32 $0x500;
	s21 =	simm.s32 $0x580  }
0x5: {  	s22 =	simm.s32 $0x600;
	s23 =	simm.s32 $0x680;
	s24 =	simm.s32 $0x700  }
0x6: {  	s28 =	simm.s32 $0x880;
	s29 =	simm.s32 $0x900;
	s30 =	simm.s32 $0x980  }
0x7: {  	s31 =	simm.s32 $0xA00;
	s12 =	simm.s32 $0xB80;
	s13 =	simm.s32 $0x2  }
0x8: {  	s14 =	simm.s32 $0x0;
	s0 =	sand.u32 $0x1, s0;
	[smem:$0x7FF] =	sst s2  }
0x9: {  	s6 =	smul.u32 $0x61C0, s7;
	p0 =	sne.s32 s7, $0x0;
	s4 =	sshll.u32 s0, $0x4  }
0xa: {  	_ =	strace $0x80000047;
	s0 =	ssub.s32 $0x2, s0;
	s5 =	sor.u32 s7, s4  }
0xb: {  	s8 =	sadd.s32 s4, s3;
	s25 =	sshrl.u32 s0, $0x1;
	s26 =	sshrl.u32 s6, $0x2  }
0xc: {  	s7 =	simm.s32 $0xB00;
	s5 =	smul.u32 $0x180, s5;
	s0 =	ssub.s32 s0, s25  }
0xd: {  	s4 =	sadd.s32 s26, s1;
	s25 =	simm.s32 $0x780;
	s26 =	simm.s32 $0x800  }
0xe: {  	s6 =	smax.u32 s0, $0x1;
	s0 =	simm.s32 $0xA80;
	s5 =	sadd.s32 s5, s3  }
0xf: {  	v0 =	vimm.f32 $1.000000000e+00;
	v1 =	vimm.f32 $0.0e+00;
	s3 =	sadd.s32 $0x400, s5;
	s5 =	sadd.s32 $0x3400, s8;
	s8 =	simm.s32 $0x3  }
.LBB2_1:
0x10: {  	[tilespmem:s2], [sflag:$0x1] =	stream.linear.gather [hbm4b:s3+s2], $0xC00, $0x38;
	[tilespmem:$0x3D70] =	vst v63  }
0x11: {  	[tilespmem:$0xC00] =	vst v0  }
0x12: {  	[tilespmem:$0xC10] =	vst v0  }
0x13: {  	[tilespmem:$0xC20] =	vst v0  }
0x14: {  	[tilespmem:$0xC30] =	vst v0  }
0x15: {  	[tilespmem:$0xC40] =	vst v0  }
0x16: {  	[tilespmem:$0xC50] =	vst v0  }
0x17: {  	[tilespmem:$0xC60] =	vst v0  }
0x18: {  	s15 =	simm.s32 $0xD10;
	[tilespmem:$0xC70] =	vst v0  }
0x19: {  	[tilespmem:s15+$0xFFFFFF70] =	vst v1  }
0x1a: {  	[tilespmem:s15+$0xFFFFFFE0] =	vst v1  }
0x1b: {  	[tilespmem:s15+$0xFFFFFFD0] =	vst v1  }
0x1c: {  	[tilespmem:s15+$0xFFFFFFC0] =	vst v1  }
0x1d: {  	[tilespmem:s15+$0xFFFFFFB0] =	vst v1  }
0x1e: {  	[tilespmem:s15+$0xFFFFFFA0] =	vst v1  }
0x1f: {  	[tilespmem:s15+$0xFFFFFF90] =	vst v1  }
0x20: {  	s18 =	sand.u32 $0x3FF0, s2;
	[tilespmem:s15+$0xFFFFFF80] =	vst v1  }
0x21: {  	[tilespmem:s18+$0xD00] =	vst v1  }
0x22: {  	s16 =	simm.s32 $0x110;
	s17 =	simm.s32 $0xD10;
	[tilespmem:s15+$0x60] =	vst v1  }
.LBB2_2:
0x23: {  	p1 =	sne.s32 s16, $0x1760  }
0x24: {  	[tilespmem:s15+$0x40] =	vst v1;
	s17 =	sadd.s32 $0x110, s17;
	s19 =	smov.u32 s16;
	s16 =	sadd.s32 $0x110, s16  }
0x25: {  	[tilespmem:s15+$0x50] =	vst v1  }
0x26: {  	[tilespmem:s15+$0x30] =	vst v1  }
0x27: {  	[tilespmem:s15+$0x20] =	vst v1  }
0x28: {  	[tilespmem:s15+$0x10] =	vst v1  }
0x29: {  	[tilespmem:s15+$0x0] =	vst v1;
	s15 =	smov.u32 s17  }
0x2a: {  	[tilespmem:s18+$0xD80] =	vst v1  }
0x2b: {  	[tilespmem:s17+$0xFFFFFF70] =	vst v1  }
0x2c: {  	[tilespmem:s17+$0xFFFFFFE0] =	vst v1  }
0x2d: {  	[tilespmem:s17+$0xFFFFFFD0] =	vst v1  }
0x2e: {  	[tilespmem:s17+$0xFFFFFFC0] =	vst v1  }
0x2f: {  	[tilespmem:s17+$0xFFFFFFB0] =	vst v1  }
.Ltmp0:
0x30: {  	[tilespmem:s17+$0xFFFFFFA0] =	vst v1;
	(pc) =	sbr.rel @p1 .LBB2_2-.Ltmp0, $4  }
0x31: {  	[tilespmem:s17+$0xFFFFFF90] =	vst v1  }
0x32: {  	s18 =	sand.u32 $0x3FF0, s19;
	[tilespmem:s17+$0xFFFFFF80] =	vst v1  }
0x33: {  	[tilespmem:s18+$0xD00] =	vst v1  }
0x34: {  	[tilespmem:s17+$0x60] =	vst v1  }
0x35: {  	[tilespmem:s15+$0x40] =	vst v1  }
0x36: {  	[tilespmem:s15+$0x50] =	vst v1  }
0x37: {  	[tilespmem:s15+$0x30] =	vst v1  }
0x38: {  	[tilespmem:s15+$0x20] =	vst v1  }
0x39: {  	[tilespmem:s15+$0x10] =	vst v1  }
0x3a: {  	[tilespmem:s15+$0x0] =	vst v1  }
0x3b: {  	s19 =	simm.s32 $0xC80;
	[tilespmem:s18+$0xD80] =	vst v1  }
0x3c: {  	[spmem:s4] =	stream.linear.scatter [tilespmem:s19], [sflag:$0x3], $0x1870, $0x38;
	[tilespmem:$0x3D70] =	vst v63  }
0x3d: {  	_ =	swait.ge [sflag:s8], $0x1870  }
0x3e: {  	[sflag:s8] =	ssyncset.done $0x0  }
0x3f: {  	[sflag:s8] =	ssyncadd.s32 $0xFFFFE790  }
0x40: {  	_ =	swait.ge [sflag:s9], $0xC00  }
0x41: {  	[sflag:s9] =	ssyncset.done $0x0  }
0x42: {  	[sflag:s9] =	ssyncadd.s32 $0xFFFFF400  }
0x43: {  	[bflag:$0x0] =	sbarrier.arrive $0xFFFF  }
0x44: {  	[spmem:s1] =	stream.indirect.scatter.add.f32 [tilespmem:s11], [sflag:$0x2], $0x1, s2, s10, $0xb8;
	[tilespmem:$0x3D70] =	vst v63  }
0x45: {  	_ = 	snop  }
0x46: {  	[spmem:s1] =	stream.indirect.scatter.add.f32 [tilespmem:s11], [sflag:$0x2], $0x1, s10, s10, $0xb8;
	[tilespmem:$0x3D70] =	vst v63  }
0x47: {  	s16 =	simm.s32 $0x100  }
0x48: {  	[spmem:s1] =	stream.indirect.scatter.add.f32 [tilespmem:s11], [sflag:$0x2], $0x1, s16, s10, $0xb8;
	[tilespmem:$0x3D70] =	vst v63  }
0x49: {  	s17 =	simm.s32 $0x180  }
0x4a: {  	[spmem:s1] =	stream.indirect.scatter.add.f32 [tilespmem:s11], [sflag:$0x2], $0x1, s17, s10, $0xb8;
	[tilespmem:$0x3D70] =	vst v63  }
0x4b: {  	s18 =	simm.s32 $0x200  }
0x4c: {  	[spmem:s1] =	stream.indirect.scatter.add.f32 [tilespmem:s11], [sflag:$0x2], $0x1, s18, s10, $0xb8;
	[tilespmem:$0x3D70] =	vst v63  }
0x4d: {  	s19 =	simm.s32 $0x280  }
0x4e: {  	[spmem:s1] =	stream.indirect.scatter.add.f32 [tilespmem:s11], [sflag:$0x2], $0x1, s19, s10, $0xb8;
	[tilespmem:$0x3D70] =	vst v63  }
0x4f: {  	s16 =	simm.s32 $0x300  }
0x50: {  	[spmem:s1] =	stream.indirect.scatter.add.f32 [tilespmem:s11], [sflag:$0x2], $0x1, s16, s10, $0xb8;
	[tilespmem:$0x3D70] =	vst v63  }
0x51: {  	s17 =	simm.s32 $0x380  }
0x52: {  	[spmem:s1] =	stream.indirect.scatter.add.f32 [tilespmem:s11], [sflag:$0x2], $0x1, s17, s10, $0xb8;
	[tilespmem:$0x3D70] =	vst v63  }
0x53: {  	s18 =	simm.s32 $0x400  }
0x54: {  	[spmem:s1] =	stream.indirect.scatter.add.f32 [tilespmem:s11], [sflag:$0x2], $0x1, s18, s10, $0xb8;
	[tilespmem:$0x3D70] =	vst v63  }
0x55: {  	s19 =	simm.s32 $0x480  }
0x56: {  	[spmem:s1] =	stream.indirect.scatter.add.f32 [tilespmem:s11], [sflag:$0x2], $0x1, s19, s10, $0xb8;
	[tilespmem:$0x3D70] =	vst v63  }
0x57: {  	_ = 	snop  }
0x58: {  	[spmem:s1] =	stream.indirect.scatter.add.f32 [tilespmem:s11], [sflag:$0x2], $0x1, s20, s10, $0xb8;
	[tilespmem:$0x3D70] =	vst v63  }
0x59: {  	_ = 	snop  }
0x5a: {  	[spmem:s1] =	stream.indirect.scatter.add.f32 [tilespmem:s11], [sflag:$0x2], $0x1, s21, s10, $0xb8;
	[tilespmem:$0x3D70] =	vst v63  }
0x5b: {  	_ = 	snop  }
0x5c: {  	[spmem:s1] =	stream.indirect.scatter.add.f32 [tilespmem:s11], [sflag:$0x2], $0x1, s22, s10, $0xb8;
	[tilespmem:$0x3D70] =	vst v63  }
0x5d: {  	_ = 	snop  }
0x5e: {  	[spmem:s1] =	stream.indirect.scatter.add.f32 [tilespmem:s11], [sflag:$0x2], $0x1, s23, s10, $0xb8;
	[tilespmem:$0x3D70] =	vst v63  }
0x5f: {  	_ = 	snop  }
0x60: {  	[spmem:s1] =	stream.indirect.scatter.add.f32 [tilespmem:s11], [sflag:$0x2], $0x1, s24, s10, $0xb8;
	[tilespmem:$0x3D70] =	vst v63  }
0x61: {  	_ = 	snop  }
0x62: {  	[spmem:s1] =	stream.indirect.scatter.add.f32 [tilespmem:s11], [sflag:$0x2], $0x1, s25, s10, $0xb8;
	[tilespmem:$0x3D70] =	vst v63  }
0x63: {  	_ = 	snop  }
0x64: {  	[spmem:s1] =	stream.indirect.scatter.add.f32 [tilespmem:s11], [sflag:$0x2], $0x1, s26, s10, $0xb8;
	[tilespmem:$0x3D70] =	vst v63  }
0x65: {  	_ = 	snop  }
0x66: {  	[spmem:s1] =	stream.indirect.scatter.add.f32 [tilespmem:s11], [sflag:$0x2], $0x1, s28, s10, $0xb8;
	[tilespmem:$0x3D70] =	vst v63  }
0x67: {  	_ = 	snop  }
0x68: {  	[spmem:s1] =	stream.indirect.scatter.add.f32 [tilespmem:s11], [sflag:$0x2], $0x1, s29, s10, $0xb8;
	[tilespmem:$0x3D70] =	vst v63  }
0x69: {  	_ = 	snop  }
0x6a: {  	[spmem:s1] =	stream.indirect.scatter.add.f32 [tilespmem:s11], [sflag:$0x2], $0x1, s30, s10, $0xb8;
	[tilespmem:$0x3D70] =	vst v63  }
0x6b: {  	_ = 	snop  }
0x6c: {  	[spmem:s1] =	stream.indirect.scatter.add.f32 [tilespmem:s11], [sflag:$0x2], $0x1, s31, s10, $0xb8;
	[tilespmem:$0x3D70] =	vst v63  }
0x6d: {  	_ = 	snop  }
0x6e: {  	[spmem:s1] =	stream.indirect.scatter.add.f32 [tilespmem:s11], [sflag:$0x2], $0x1, s0, s10, $0xb8;
	[tilespmem:$0x3D70] =	vst v63  }
0x6f: {  	_ = 	snop  }
0x70: {  	[spmem:s1] =	stream.indirect.scatter.add.f32 [tilespmem:s11], [sflag:$0x2], $0x1, s7, s10, $0xb8;
	[tilespmem:$0x3D70] =	vst v63  }
0x71: {  	_ = 	snop  }
0x72: {  	[spmem:s1] =	stream.indirect.scatter.add.f32 [tilespmem:s11], [sflag:$0x2], $0x1, s12, s10, $0xb8;
	[tilespmem:$0x3D70] =	vst v63  }
0x73: {  	_ =	swait.ge [sflag:s13], $0x80  }
0x74: {  	[sflag:s13] =	ssyncset.done $0x0  }
0x75: {  	[sflag:s13] =	ssyncadd.s32 $0xFFFFFF80  }
0x76: {  	_ =	swait.ge [sflag:s13], $0x80  }
0x77: {  	[sflag:s13] =	ssyncset.done $0x0  }
0x78: {  	[sflag:s13] =	ssyncadd.s32 $0xFFFFFF80  }
0x79: {  	_ =	swait.ge [sflag:s13], $0x80  }
0x7a: {  	[sflag:s13] =	ssyncset.done $0x0  }
0x7b: {  	[sflag:s13] =	ssyncadd.s32 $0xFFFFFF80  }
0x7c: {  	_ =	swait.ge [sflag:s13], $0x80  }
0x7d: {  	[sflag:s13] =	ssyncset.done $0x0  }
0x7e: {  	[sflag:s13] =	ssyncadd.s32 $0xFFFFFF80  }
0x7f: {  	_ =	swait.ge [sflag:s13], $0x80  }
0x80: {  	[sflag:s13] =	ssyncset.done $0x0  }
0x81: {  	[sflag:s13] =	ssyncadd.s32 $0xFFFFFF80  }
0x82: {  	_ =	swait.ge [sflag:s13], $0x80  }
0x83: {  	[sflag:s13] =	ssyncset.done $0x0  }
0x84: {  	[sflag:s13] =	ssyncadd.s32 $0xFFFFFF80  }
0x85: {  	_ =	swait.ge [sflag:s13], $0x80  }
0x86: {  	[sflag:s13] =	ssyncset.done $0x0  }
0x87: {  	[sflag:s13] =	ssyncadd.s32 $0xFFFFFF80  }
0x88: {  	_ =	swait.ge [sflag:s13], $0x80  }
0x89: {  	[sflag:s13] =	ssyncset.done $0x0  }
0x8a: {  	[sflag:s13] =	ssyncadd.s32 $0xFFFFFF80  }
0x8b: {  	_ =	swait.ge [sflag:s13], $0x80  }
0x8c: {  	[sflag:s13] =	ssyncset.done $0x0  }
0x8d: {  	[sflag:s13] =	ssyncadd.s32 $0xFFFFFF80  }
0x8e: {  	_ =	swait.ge [sflag:s13], $0x80  }
0x8f: {  	[sflag:s13] =	ssyncset.done $0x0  }
0x90: {  	[sflag:s13] =	ssyncadd.s32 $0xFFFFFF80  }
0x91: {  	_ =	swait.ge [sflag:s13], $0x80  }
0x92: {  	[sflag:s13] =	ssyncset.done $0x0  }
0x93: {  	[sflag:s13] =	ssyncadd.s32 $0xFFFFFF80  }
0x94: {  	_ =	swait.ge [sflag:s13], $0x80  }
0x95: {  	[sflag:s13] =	ssyncset.done $0x0  }
0x96: {  	[sflag:s13] =	ssyncadd.s32 $0xFFFFFF80  }
0x97: {  	_ =	swait.ge [sflag:s13], $0x80  }
0x98: {  	[sflag:s13] =	ssyncset.done $0x0  }
0x99: {  	[sflag:s13] =	ssyncadd.s32 $0xFFFFFF80  }
0x9a: {  	_ =	swait.ge [sflag:s13], $0x80  }
0x9b: {  	[sflag:s13] =	ssyncset.done $0x0  }
0x9c: {  	[sflag:s13] =	ssyncadd.s32 $0xFFFFFF80  }
0x9d: {  	_ =	swait.ge [sflag:s13], $0x80  }
0x9e: {  	[sflag:s13] =	ssyncset.done $0x0  }
0x9f: {  	[sflag:s13] =	ssyncadd.s32 $0xFFFFFF80  }
0xa0: {  	_ =	swait.ge [sflag:s13], $0x80  }
0xa1: {  	[sflag:s13] =	ssyncset.done $0x0  }
0xa2: {  	[sflag:s13] =	ssyncadd.s32 $0xFFFFFF80  }
0xa3: {  	_ =	swait.ge [sflag:s13], $0x80  }
0xa4: {  	[sflag:s13] =	ssyncset.done $0x0  }
0xa5: {  	[sflag:s13] =	ssyncadd.s32 $0xFFFFFF80  }
0xa6: {  	_ =	swait.ge [sflag:s13], $0x80  }
0xa7: {  	[sflag:s13] =	ssyncset.done $0x0  }
0xa8: {  	[sflag:s13] =	ssyncadd.s32 $0xFFFFFF80  }
0xa9: {  	_ =	swait.ge [sflag:s13], $0x80  }
0xaa: {  	[sflag:s13] =	ssyncset.done $0x0  }
0xab: {  	[sflag:s13] =	ssyncadd.s32 $0xFFFFFF80  }
0xac: {  	_ =	swait.ge [sflag:s13], $0x80  }
0xad: {  	[sflag:s13] =	ssyncset.done $0x0  }
0xae: {  	[sflag:s13] =	ssyncadd.s32 $0xFFFFFF80  }
0xaf: {  	_ =	swait.ge [sflag:s13], $0x80  }
0xb0: {  	[sflag:s13] =	ssyncset.done $0x0  }
0xb1: {  	[sflag:s13] =	ssyncadd.s32 $0xFFFFFF80  }
0xb2: {  	_ =	swait.ge [sflag:s13], $0x80  }
0xb3: {  	[sflag:s13] =	ssyncset.done $0x0  }
0xb4: {  	[sflag:s13] =	ssyncadd.s32 $0xFFFFFF80  }
0xb5: {  	_ =	swait.ge [sflag:s13], $0x80  }
0xb6: {  	[sflag:s13] =	ssyncset.done $0x0  }
0xb7: {  	[sflag:s13] =	ssyncadd.s32 $0xFFFFFF80  }
0xb8: {  	s14 =	sadd.s32 $0x1, s14;
	_ =	swait.ge [sflag:s13], $0x80  }
0xb9: {  	s15 =	sshrl.u32 @!p0 s1, $0x3;
	p1 =	sne.s32 s14, s6;
	[sflag:s13] =	ssyncset.done $0x0  }
0xba: {  	s16 =	simm.s32 @!p0 $0x1;
	s17 =	simm.s32 @!p0 $0x20;
	[sflag:s13] =	ssyncadd.s32 $0xFFFFFF80  }
0xbb: {  	s18 =	simm.s32 @!p0 $0x10;
	s19 =	simm.s32 @!p0 $0x1C03;
	[bflag:$0x0] =	sbarrier.arrive $0xFFFF  }
0xbc: {  	[hbm:s5@s17], [sflag:s19] =	dma.strided @!p0 [spmem:s15@s18], $0x30E0, s16, $0x10   }
.Ltmp1:
0xbd: {  	_ = 	snop;
	(pc) =	sbr.rel @p1 .LBB2_1-.Ltmp1, $4  }
0xbe: {  	s15 =	simm.s32 @!p0 $0x3  }
0xbf: {  	_ =	swait.ge @!p0 [sflag:s15], $0x30E0  }
0xc0: {  	[sflag:s15] =	ssyncset.done @!p0 $0x0  }
0xc1: {  	[sflag:s15] =	ssyncadd.s32 @!p0 $0xFFFFCF20  }
0xc2: {  	_ =	sfence.sel $0x180000  }
0xc3: {  	[bflag:$0x0] =	sbarrier.arrive $0xFFFF  }
0xc4: {  	_ =	strace $0x90000047  }
0xc5: {  	[bflag:$0x2] =	sbarrier.arrive $0xFFFF  }
0xc6: {  	s0 =	rddreg [dreg:$0x2]  }
0xc7: {  	s0 =	sadd.s32 @!p0 $0x100000, s0  }
0xc8: {  	[sflag:s0] =	ssyncadd.tile.s32 @!p0 $0x1;
	_ =	shalt  }
.Lfunc_end2:
_tile_overlayer_lowered:
.L_overlay_start_2:
0xc9: {  	(tag) =	ssettag $0x2  }
0xca: {  	s0 =	rddreg [dreg:$0x0];
	s2 =	stileid.u32  }
0xcb: {  	s1 =	rddreg [dreg:$0x1];
	p0 =	sne.s32 s2, $0x0  }
0xcc: {  	s3 =	rddreg [dreg:$0x2];
	[bflag:$0x3] =	sbarrier.arrive $0xFFFF;
	s2 =	simm.s32 @!p0 $0x1C03  }
0xcd: {  	[timem:s3], [sflag:s2] =	dma.local @!p0 [hbm:s0], s1  }
0xce: {  	s0 =	simm.s32 @!p0 $0x3  }
0xcf: {  	_ =	swait.ge @!p0 [sflag:s0], s1  }
0xd0: {  	s1 =	ssub.s32 @!p0 $0x0, s1;
	[sflag:s0] =	ssyncset.done @!p0 $0x0  }
0xd1: {  	[sflag:s0] =	ssyncadd.s32 @!p0 s1  }
0xd2: {  	[bflag:$0x3] =	sbarrier.arrive $0xFFFF  }
0xd3: {  	_ =	shalt  }

</sc_bundles>
